<compile_context>
chip_gen: v7x
topology: tpu7x:2x2x1
jax: 0.10.2.dev20260603
libtpu: 0.0.44.dev20260713+nightly
codegen_flags: <defaults>
</compile_context>

<pallas_src>
import functools

import numpy as np
import jax
import jax.numpy as jnp
from jax import lax
from jax.experimental import pallas as pl
from jax.experimental.pallas import tpu as pltpu
from jax.experimental.pallas import tpu_sc as plsc

N = 10000
E = 320000
IN_C = 128
HID = 256
OUT_C = 64
L = 4
ALPHA = 0.1
THETA = 0.5
EPS = 1e-5

NC = 2
NS = 16
CH = 128
DCH = 128
PAD = 16
A_OFF = 624
A_SZ = 640

EPT = E // (NC * NS)
KCH = -(-EPT // CH)
KCH_DEG = -(-EPT // DCH)

_MESH = plsc.VectorSubcoreMesh(core_axis_name="c", subcore_axis_name="s")
_SC_PARAMS = pltpu.CompilerParams(use_tc_tiling_on_sc=False)


def _sc_degree_body(colpad, zeros16, e0, degacc_out, col_v, e0_v, acc_sh, sem):
    c = lax.axis_index("c")
    s = lax.axis_index("s")
    w = c * NS + s
    pltpu.sync_copy(zeros16.at[pl.ds(s * A_OFF, A_SZ)],
                    acc_sh.at[pl.ds(s * A_OFF, A_SZ)])
    pltpu.sync_copy(e0, e0_v)
    pltpu.sync_copy(colpad.at[w], col_v)
    plsc.subcore_barrier()

    def body(k, carry):
        pltpu.sync_copy(e0_v, acc_sh.at[col_v.at[k]], add=True)
        return carry

    lax.fori_loop(0, KCH_DEG, body, 0)
    plsc.subcore_barrier()
    pltpu.sync_copy(acc_sh.at[pl.ds(s * A_OFF, A_SZ)],
                    degacc_out.at[c, pl.ds(s * A_OFF, A_SZ)])


_sc_degree = pl.kernel(
    _sc_degree_body,
    out_type=jax.ShapeDtypeStruct((NC, N, 16), jnp.float32),
    mesh=_MESH,
    scratch_types=[
        pltpu.VMEM((KCH_DEG, DCH), jnp.int32),
        pltpu.VMEM((DCH, 16), jnp.float32),
        pltpu.VMEM_SHARED((N + PAD, 16), jnp.float32),
        pltpu.SemaphoreType.DMA,
    ],
    compiler_params=_SC_PARAMS,
)


def _sc_prop_body(hs, z, idx2, seg_out, idx_v, r0, acc_sh, sg):
    c = lax.axis_index("c")
    s = lax.axis_index("s")
    w = c * NS + s

    pltpu.sync_copy(idx2.at[pl.ds(w * KCH, KCH)], idx_v)

    @pl.when(c == 0)
    def _():
        pltpu.sync_copy(hs.at[pl.ds(s * A_OFF, A_SZ)],
                        acc_sh.at[pl.ds(s * A_OFF, A_SZ)])

    @pl.when(c != 0)
    def _():
        pltpu.sync_copy(z.at[pl.ds(s * A_OFF, A_SZ)],
                        acc_sh.at[pl.ds(s * A_OFF, A_SZ)])

    plsc.subcore_barrier()

    def body(k, carry):
        pltpu.async_copy(hs.at[idx_v.at[k, 0]], r0, sg).wait()
        pltpu.sync_copy(r0, acc_sh.at[idx_v.at[k, 1]], add=True)
        return carry

    lax.fori_loop(0, KCH, body, 0)
    plsc.subcore_barrier()
    pltpu.sync_copy(acc_sh.at[pl.ds(s * A_OFF, A_SZ)],
                    seg_out.at[c, pl.ds(s * A_OFF, A_SZ)])


_sc_prop = pl.kernel(
    _sc_prop_body,
    out_type=jax.ShapeDtypeStruct((NC, N, HID), jnp.bfloat16),
    mesh=_MESH,
    scratch_types=[
        pltpu.VMEM((KCH, 2, CH), jnp.int32),
        pltpu.VMEM((CH, HID), jnp.bfloat16),
        pltpu.VMEM_SHARED((N + PAD, HID), jnp.bfloat16),
        pltpu.SemaphoreType.DMA,
    ],
    compiler_params=_SC_PARAMS,
)


BM = 2000


def _tc1_body(x_ref, w0_ref, b0_ref, da_ref, h0_ref, hs_ref, dis_ref):
    da = da_ref[...]
    deg = da[0][:, 0:1] + da[1][:, 0:1] + 1.0
    dis = lax.rsqrt(deg)
    h = jnp.dot(x_ref[...], w0_ref[...], preferred_element_type=jnp.float32)
    h = jnp.maximum(h + b0_ref[...], 0.0)
    h0_ref[...] = h
    dis_ref[...] = dis
    hs_ref[...] = (h * dis).astype(jnp.bfloat16)


def _tc1(x, W0, b0, degacc):
    return pl.pallas_call(
        _tc1_body,
        grid=(N // BM,),
        in_specs=[
            pl.BlockSpec((BM, IN_C), lambda i: (i, 0)),
            pl.BlockSpec((IN_C, HID), lambda i: (0, 0)),
            pl.BlockSpec((1, HID), lambda i: (0, 0)),
            pl.BlockSpec((NC, BM, 16), lambda i: (0, i, 0)),
        ],
        out_specs=[
            pl.BlockSpec((BM, HID), lambda i: (i, 0)),
            pl.BlockSpec((BM, HID), lambda i: (i, 0)),
            pl.BlockSpec((BM, 1), lambda i: (i, 0)),
        ],
        out_shape=[
            jax.ShapeDtypeStruct((N, HID), jnp.float32),
            jax.ShapeDtypeStruct((N, HID), jnp.bfloat16),
            jax.ShapeDtypeStruct((N, 1), jnp.float32),
        ],
    )(x, W0, b0, degacc)


def _dense_update(bl, seg_ref, h0_ref, dis_ref, w_ref, g_ref, be_ref, rm_ref,
                  rv_ref):
    dis = dis_ref[...]
    seg = seg_ref[...]
    p = (seg[0].astype(jnp.float32) + seg[1].astype(jnp.float32)) * dis
    t = (1.0 - ALPHA) * p + ALPHA * h0_ref[...]
    u = (1.0 - bl) * t + bl * jnp.dot(t, w_ref[...],
                                      preferred_element_type=jnp.float32)
    scale = g_ref[...] * lax.rsqrt(rv_ref[...] + EPS)
    h = jnp.maximum((u - rm_ref[...]) * scale + be_ref[...], 0.0)
    return h, dis


def _tc_layer_body(bl, seg_ref, h0_ref, dis_ref, w_ref, g_ref, be_ref, rm_ref,
                   rv_ref, hsn_ref):
    h, dis = _dense_update(bl, seg_ref, h0_ref, dis_ref, w_ref, g_ref, be_ref,
                           rm_ref, rv_ref)
    hsn_ref[...] = (h * dis).astype(jnp.bfloat16)


_LAYER_SPECS = [
    pl.BlockSpec((NC, BM, HID), lambda i: (0, i, 0)),
    pl.BlockSpec((BM, HID), lambda i: (i, 0)),
    pl.BlockSpec((BM, 1), lambda i: (i, 0)),
    pl.BlockSpec((HID, HID), lambda i: (0, 0)),
    pl.BlockSpec((1, HID), lambda i: (0, 0)),
    pl.BlockSpec((1, HID), lambda i: (0, 0)),
    pl.BlockSpec((1, HID), lambda i: (0, 0)),
    pl.BlockSpec((1, HID), lambda i: (0, 0)),
]


def _tc_layer(bl, seg, h0, dis, W, g, be, rm, rv):
    return pl.pallas_call(
        functools.partial(_tc_layer_body, bl),
        grid=(N // BM,),
        in_specs=_LAYER_SPECS,
        out_specs=pl.BlockSpec((BM, HID), lambda i: (i, 0)),
        out_shape=jax.ShapeDtypeStruct((N, HID), jnp.bfloat16),
    )(seg, h0, dis, W, g, be, rm, rv)


def _tc_last_body(bl, seg_ref, h0_ref, dis_ref, w_ref, g_ref, be_ref, rm_ref,
                  rv_ref, w1_ref, b1_ref, out_ref):
    h, _ = _dense_update(bl, seg_ref, h0_ref, dis_ref, w_ref, g_ref, be_ref,
                         rm_ref, rv_ref)
    o = jnp.dot(h, w1_ref[...], preferred_element_type=jnp.float32)
    o = o + b1_ref[...]
    z = o - jnp.max(o, axis=1, keepdims=True)
    out_ref[...] = z - jnp.log(jnp.sum(jnp.exp(z), axis=1, keepdims=True))


def _tc_last(bl, seg, h0, dis, W, g, be, rm, rv, W1, b1):
    return pl.pallas_call(
        functools.partial(_tc_last_body, bl),
        grid=(N // BM,),
        in_specs=_LAYER_SPECS + [
            pl.BlockSpec((HID, OUT_C), lambda i: (0, 0)),
            pl.BlockSpec((1, OUT_C), lambda i: (0, 0)),
        ],
        out_specs=pl.BlockSpec((BM, OUT_C), lambda i: (i, 0)),
        out_shape=jax.ShapeDtypeStruct((N, OUT_C), jnp.float32),
    )(seg, h0, dis, W, g, be, rm, rv, W1, b1)


def kernel(x, edge_index, W0, b0, Ws, gammas, betas, rmeans, rvars, W1, b1):
    row = edge_index[0]
    col = edge_index[1]

    rpad = jnp.pad(row.reshape(NC * NS, EPT), ((0, 0), (0, KCH * CH - EPT)))
    cpad = jnp.pad(col.reshape(NC * NS, EPT), ((0, 0), (0, KCH * CH - EPT)),
                   constant_values=N)
    idx2 = jnp.stack([rpad.reshape(NC * NS, KCH, CH),
                      cpad.reshape(NC * NS, KCH, CH)],
                     axis=2).reshape(NC * NS * KCH, 2, CH)
    cpad_deg = jnp.pad(col.reshape(NC * NS, EPT),
                       ((0, 0), (0, KCH_DEG * DCH - EPT)),
                       constant_values=N).reshape(NC * NS, KCH_DEG, DCH)
    zeros16 = jnp.zeros((N + PAD, 16), jnp.float32)
    e0 = jnp.zeros((DCH, 16), jnp.float32).at[:, 0].set(1.0)
    zbf = jnp.zeros((N, HID), jnp.bfloat16)

    degacc = _sc_degree(cpad_deg, zeros16, e0)
    h0, hs, dis = _tc1(x, W0, b0.reshape(1, HID), degacc)

    out = None
    for layer in range(L):
        seg = _sc_prop(hs, zbf, idx2)
        bl = float(np.log(THETA / (layer + 1) + 1.0))
        g = gammas[layer].reshape(1, HID)
        be = betas[layer].reshape(1, HID)
        rm = rmeans[layer].reshape(1, HID)
        rv = rvars[layer].reshape(1, HID)
        if layer < L - 1:
            hs = _tc_layer(bl, seg, h0, dis, Ws[layer], g, be, rm, rv)
        else:
            out = _tc_last(bl, seg, h0, dis, Ws[layer], g, be, rm, rv, W1,
                           b1.reshape(1, OUT_C))
    return out

# --- scband reference (transcript-rebuilt; emitter-appended) ---
"""Pipeline reference for scband-gcnii-62689342652848 (READ-ONLY COPY).

The authoritative reference and input builder live on the scoring server;
editing this copy changes nothing except your own understanding.
"""

import jax, jax.numpy as jnp
import numpy as np

N = 10000
E = 320000
IN_C = 128
HID = 256
OUT_C = 64
L = 4
ALPHA = 0.1
THETA = 0.5
EPS = 1e-5


def setup_inputs(seed: int = 0) -> dict:
    key = jax.random.key(seed)
    ks = jax.random.split(key, 8)
    x = jax.random.normal(ks[0], (N, IN_C), dtype=jnp.float32)
    edge_index = jax.random.randint(ks[1], (2, E), 0, N, dtype=jnp.int32)
    W0 = jax.random.normal(ks[2], (IN_C, HID), dtype=jnp.float32) * 0.05
    b0 = jnp.zeros((HID,), dtype=jnp.float32)
    Ws = jax.random.normal(ks[3], (L, HID, HID), dtype=jnp.float32) * 0.05
    gammas = jnp.ones((L, HID), dtype=jnp.float32)
    betas = jnp.zeros((L, HID), dtype=jnp.float32)
    rmeans = jnp.zeros((L, HID), dtype=jnp.float32)
    rvars = jnp.ones((L, HID), dtype=jnp.float32)
    W1 = jax.random.normal(ks[4], (HID, OUT_C), dtype=jnp.float32) * 0.05
    b1 = jnp.zeros((OUT_C,), dtype=jnp.float32)
    return {"x": x, "edge_index": edge_index, "W0": W0, "b0": b0, "Ws": Ws,
            "gammas": gammas, "betas": betas, "rmeans": rmeans, "rvars": rvars,
            "W1": W1, "b1": b1}


def _gcn_norm(edge_index):
    # add self loops, then symmetric normalization (gcn_norm with add_self_loops=True)
    row = edge_index[0]
    col = edge_index[1]
    loop = jnp.arange(N, dtype=edge_index.dtype)
    row = jnp.concatenate([row, loop])
    col = jnp.concatenate([col, loop])
    w = jnp.ones(row.shape[0], dtype=jnp.float32)
    deg = jax.ops.segment_sum(w, col, num_segments=N)
    dis = jnp.where(deg > 0, jax.lax.rsqrt(jnp.maximum(deg, 1e-12)), 0.0)
    norm = dis[row] * w * dis[col]
    return row, col, norm


def _propagate(h, row, col, norm):
    # adj_t @ h where adj_t has (row=col_orig, col=row_orig, value=norm)
    msgs = norm[:, None] * jnp.take(h, row, axis=0)
    return jax.ops.segment_sum(msgs, col, num_segments=N)


def reference(x, edge_index, W0, b0, Ws, gammas, betas, rmeans, rvars, W1, b1):
    row, col, norm = _gcn_norm(edge_index)
    # eval mode: dropout is identity, batchnorm uses running stats
    h = jnp.maximum(x @ W0 + b0, 0.0)
    h0 = h
    for layer in range(L):
        p = _propagate(h, row, col, norm)
        t = p * (1.0 - ALPHA) + ALPHA * h0
        beta_l = float(np.log(THETA / (layer + 1) + 1.0))
        h = (1.0 - beta_l) * t + beta_l * (t @ Ws[layer])
        h = gammas[layer] * (h - rmeans[layer]) * jax.lax.rsqrt(rvars[layer] + EPS) + betas[layer]
        h = jnp.maximum(h, 0.0)
    out = h @ W1 + b1
    return jax.nn.log_softmax(out, axis=1)

if __name__ == "__main__":
    import jax
    _d = setup_inputs()
    print(jax.jit(kernel)(*tuple(_d.values())))

</pallas_src>

<mosaic_0001>
#map = affine_map<(d0, d1) -> (0, 0)>
#map1 = affine_map<(d0, d1) -> (0, 0, 0)>
module attributes {stable_mosaic.version = 14 : i64} {
  func.func @_sc_prop_body(%arg0: i32, %arg1: i32, %arg2: memref<10000x256xbf16, #tpu.memory_space<hbm>>, %arg3: memref<10000x256xbf16, #tpu.memory_space<hbm>>, %arg4: memref<2528x2x128xi32, #tpu.memory_space<hbm>>, %arg5: memref<2x10000x256xbf16, #tpu.memory_space<hbm>>, %arg6: memref<79x2x128xi32, #tpu.memory_space<vmem>>, %arg7: memref<128x256xbf16, #tpu.memory_space<vmem>>, %arg8: memref<10016x256xbf16, #tpu.memory_space<vmem_shared>>, %arg9: memref<!tpu.dma_semaphore, #tpu.memory_space<semaphore_mem>>) attributes {dimension_semantics = [#tpu.dimension_semantics<core_parallel>, #tpu.dimension_semantics<subcore_parallel>], iteration_bounds = array<i64: 2, 16>, scalar_prefetch = 0 : i64, scratch_operands = 4 : i64, tpu.core_type = #tpu.core_type<sc_vector_subcore>, window_params = [{transform_indices = #map}, {transform_indices = #map}, {transform_indices = #map1}, {transform_indices = #map1}]} {
    %mul3A = arith.constant 16 : i32
    %mul3A_0 = arith.muli %arg0, %mul3A : i32
    %add3A = arith.addi %mul3A_0, %arg1 : i32
    %mul3A_1 = arith.constant 79 : i32
    %mul3A_2 = arith.muli %add3A, %mul3A_1 : i32
    "tpu.region"() ({
      %run_scoped3A = tpu.sem_alloc : memref<!tpu.dma_semaphore, #tpu.memory_space<semaphore_mem>>
      %dma_start3A = arith.constant 0 : i32
      %dma_start3A_19 = arith.constant 0 : i32
      %dma_start3A_20 = tpu.memref_slice %arg4[%mul3A_2, %dma_start3A, %dma_start3A_19] : memref<2528x2x128xi32, #tpu.memory_space<hbm>> -> memref<79x2x128xi32, #tpu.memory_space<hbm>>
      %dma_start3A_21 = arith.constant 0 : i32
      %dma_start3A_22 = arith.constant 0 : i32
      %dma_start3A_23 = tpu.memref_slice %arg4[%mul3A_2, %dma_start3A_21, %dma_start3A_22] : memref<2528x2x128xi32, #tpu.memory_space<hbm>> -> memref<79x2x128xi32, #tpu.memory_space<hbm>>
      tpu.enqueue_dma source(%dma_start3A_23 : memref<79x2x128xi32, #tpu.memory_space<hbm>>) target(%arg6 : memref<79x2x128xi32, #tpu.memory_space<vmem>>) target_semaphore(%run_scoped3A : memref<!tpu.dma_semaphore, #tpu.memory_space<semaphore_mem>>)
      %dma_wait3A = arith.constant 0 : i32
      %dma_wait3A_24 = arith.constant 0 : i32
      %dma_wait3A_25 = tpu.memref_slice %arg4[%mul3A_2, %dma_wait3A, %dma_wait3A_24] : memref<2528x2x128xi32, #tpu.memory_space<hbm>> -> memref<79x2x128xi32, #tpu.memory_space<hbm>>
      %dma_wait3A_26 = arith.constant 0 : i32
      %dma_wait3A_27 = arith.constant 0 : i32
      %dma_wait3A_28 = tpu.memref_slice %arg4[%mul3A_2, %dma_wait3A_26, %dma_wait3A_27] : memref<2528x2x128xi32, #tpu.memory_space<hbm>> -> memref<79x2x128xi32, #tpu.memory_space<hbm>>
      tpu.wait_dma2 semaphore(%run_scoped3A : memref<!tpu.dma_semaphore, #tpu.memory_space<semaphore_mem>>) src(%dma_wait3A_28 : memref<79x2x128xi32, #tpu.memory_space<hbm>>) dst(%arg6 : memref<79x2x128xi32, #tpu.memory_space<vmem>>)
      tpu.yield
    }) : () -> ()
    %eq3A = arith.constant 0 : i32
    %eq3A_3 = arith.cmpi eq, %arg0, %eq3A : i32
    %convert_element_type3A = arith.extui %eq3A_3 : i1 to i32
    %cond3A = arith.constant 0 : i32
    %cond3A_4 = arith.cmpi ne, %convert_element_type3A, %cond3A : i32
    scf.if %cond3A_4 {
      %mul3A_19 = arith.constant 624 : i32
      %mul3A_20 = arith.muli %arg1, %mul3A_19 : i32
      %mul3A_21 = arith.constant 624 : i32
      %mul3A_22 = arith.muli %arg1, %mul3A_21 : i32
      "tpu.region"() ({
        %run_scoped3A = tpu.sem_alloc : memref<!tpu.dma_semaphore, #tpu.memory_space<semaphore_mem>>
        %dma_start3A = arith.constant 0 : i32
        %dma_start3A_23 = tpu.memref_slice %arg8[%mul3A_22, %dma_start3A] : memref<10016x256xbf16, #tpu.memory_space<vmem_shared>> -> memref<640x256xbf16, #tpu.memory_space<vmem_shared>>
        %dma_start3A_24 = arith.constant 0 : i32
        %dma_start3A_25 = tpu.memref_slice %arg2[%mul3A_20, %dma_start3A_24] : memref<10000x256xbf16, #tpu.memory_space<hbm>> -> memref<640x256xbf16, #tpu.memory_space<hbm>>
        tpu.enqueue_dma source(%dma_start3A_25 : memref<640x256xbf16, #tpu.memory_space<hbm>>) target(%dma_start3A_23 : memref<640x256xbf16, #tpu.memory_space<vmem_shared>>) target_semaphore(%run_scoped3A : memref<!tpu.dma_semaphore, #tpu.memory_space<semaphore_mem>>)
        %dma_wait3A = arith.constant 0 : i32
        %dma_wait3A_26 = tpu.memref_slice %arg8[%mul3A_22, %dma_wait3A] : memref<10016x256xbf16, #tpu.memory_space<vmem_shared>> -> memref<640x256xbf16, #tpu.memory_space<vmem_shared>>
        %dma_wait3A_27 = arith.constant 0 : i32
        %dma_wait3A_28 = tpu.memref_slice %arg2[%mul3A_20, %dma_wait3A_27] : memref<10000x256xbf16, #tpu.memory_space<hbm>> -> memref<640x256xbf16, #tpu.memory_space<hbm>>
        tpu.wait_dma2 semaphore(%run_scoped3A : memref<!tpu.dma_semaphore, #tpu.memory_space<semaphore_mem>>) src(%dma_wait3A_28 : memref<640x256xbf16, #tpu.memory_space<hbm>>) dst(%dma_wait3A_26 : memref<640x256xbf16, #tpu.memory_space<vmem_shared>>)
        tpu.yield
      }) : () -> ()
    } else {
    }
    %ne3A = arith.constant 0 : i32
    %ne3A_5 = arith.cmpi ne, %arg0, %ne3A : i32
    %convert_element_type3A_6 = arith.extui %ne3A_5 : i1 to i32
    %cond3A_7 = arith.constant 0 : i32
    %cond3A_8 = arith.cmpi ne, %convert_element_type3A_6, %cond3A_7 : i32
    scf.if %cond3A_8 {
      %mul3A_19 = arith.constant 624 : i32
      %mul3A_20 = arith.muli %arg1, %mul3A_19 : i32
      %mul3A_21 = arith.constant 624 : i32
      %mul3A_22 = arith.muli %arg1, %mul3A_21 : i32
      "tpu.region"() ({
        %run_scoped3A = tpu.sem_alloc : memref<!tpu.dma_semaphore, #tpu.memory_space<semaphore_mem>>
        %dma_start3A = arith.constant 0 : i32
        %dma_start3A_23 = tpu.memref_slice %arg8[%mul3A_22, %dma_start3A] : memref<10016x256xbf16, #tpu.memory_space<vmem_shared>> -> memref<640x256xbf16, #tpu.memory_space<vmem_shared>>
        %dma_start3A_24 = arith.constant 0 : i32
        %dma_start3A_25 = tpu.memref_slice %arg3[%mul3A_20, %dma_start3A_24] : memref<10000x256xbf16, #tpu.memory_space<hbm>> -> memref<640x256xbf16, #tpu.memory_space<hbm>>
        tpu.enqueue_dma source(%dma_start3A_25 : memref<640x256xbf16, #tpu.memory_space<hbm>>) target(%dma_start3A_23 : memref<640x256xbf16, #tpu.memory_space<vmem_shared>>) target_semaphore(%run_scoped3A : memref<!tpu.dma_semaphore, #tpu.memory_space<semaphore_mem>>)
        %dma_wait3A = arith.constant 0 : i32
        %dma_wait3A_26 = tpu.memref_slice %arg8[%mul3A_22, %dma_wait3A] : memref<10016x256xbf16, #tpu.memory_space<vmem_shared>> -> memref<640x256xbf16, #tpu.memory_space<vmem_shared>>
        %dma_wait3A_27 = arith.constant 0 : i32
        %dma_wait3A_28 = tpu.memref_slice %arg3[%mul3A_20, %dma_wait3A_27] : memref<10000x256xbf16, #tpu.memory_space<hbm>> -> memref<640x256xbf16, #tpu.memory_space<hbm>>
        tpu.wait_dma2 semaphore(%run_scoped3A : memref<!tpu.dma_semaphore, #tpu.memory_space<semaphore_mem>>) src(%dma_wait3A_28 : memref<640x256xbf16, #tpu.memory_space<hbm>>) dst(%dma_wait3A_26 : memref<640x256xbf16, #tpu.memory_space<vmem_shared>>)
        tpu.yield
      }) : () -> ()
    } else {
    }
    %barrier3A = arith.constant 0 : index
    tpu.barrier barrier_id(%barrier3A)
    %scan3A = arith.constant 0 : i32
    %scan3A_9 = arith.constant 0 : i32
    %scan3A_10 = arith.constant 79 : i32
    %scan3A_11 = arith.addi %scan3A_9, %scan3A_10 : i32
    %scan3A_12 = arith.constant 1 : i32
    scf.for %scan3A_19 = %scan3A_9 to %scan3A_11 step %scan3A_12  : i32 {
      %dma_start3A = arith.constant 0 : i32
      %dma_start3A_20 = arith.constant 0 : i32
      %dma_start3A_21 = tpu.memref_slice %arg6[%scan3A_19, %dma_start3A, %dma_start3A_20] : memref<79x2x128xi32, #tpu.memory_space<vmem>> -> memref<1x1x128xi32, #tpu.memory_space<vmem>>
      %dma_start3A_22 = tpu.memref_squeeze %dma_start3A_21 : memref<1x1x128xi32, #tpu.memory_space<vmem>> -> memref<128xi32, #tpu.memory_space<vmem>>
      %dma_start3A_23 = arith.constant 0 : i32
      %dma_start3A_24 = arith.constant 0 : i32
      %dma_start3A_25 = tpu.memref_slice %arg2[%dma_start3A_23, %dma_start3A_24] : memref<10000x256xbf16, #tpu.memory_space<hbm>> -> memref<10000x256xbf16, #tpu.memory_space<hbm>>
      tpu.enqueue_indirect_dma source(%dma_start3A_25 : memref<10000x256xbf16, #tpu.memory_space<hbm>>) target(%arg7 : memref<128x256xbf16, #tpu.memory_space<vmem>>) offsets(%dma_start3A_22 : memref<128xi32, #tpu.memory_space<vmem>>) semaphore(%arg9 : memref<!tpu.dma_semaphore, #tpu.memory_space<semaphore_mem>>)
      %dma_wait3A = arith.constant 0 : i32
      %dma_wait3A_26 = arith.constant 0 : i32
      %dma_wait3A_27 = tpu.memref_slice %arg6[%scan3A_19, %dma_wait3A, %dma_wait3A_26] : memref<79x2x128xi32, #tpu.memory_space<vmem>> -> memref<1x1x128xi32, #tpu.memory_space<vmem>>
      %dma_wait3A_28 = tpu.memref_squeeze %dma_wait3A_27 : memref<1x1x128xi32, #tpu.memory_space<vmem>> -> memref<128xi32, #tpu.memory_space<vmem>>
      %dma_wait3A_29 = arith.constant 0 : i32
      %dma_wait3A_30 = arith.constant 0 : i32
      %dma_wait3A_31 = tpu.memref_slice %arg2[%dma_wait3A_29, %dma_wait3A_30] : memref<10000x256xbf16, #tpu.memory_space<hbm>> -> memref<10000x256xbf16, #tpu.memory_space<hbm>>
      tpu.wait_indirect_dma semaphore(%arg9 : memref<!tpu.dma_semaphore, #tpu.memory_space<semaphore_mem>>) src(%dma_wait3A_31 : memref<10000x256xbf16, #tpu.memory_space<hbm>>) dst(%arg7 : memref<128x256xbf16, #tpu.memory_space<vmem>>)
      %run_scoped3A = arith.constant 1 : i32
      "tpu.region"() ({
        %run_scoped3A_32 = tpu.sem_alloc : memref<!tpu.dma_semaphore, #tpu.memory_space<semaphore_mem>>
        %dma_start3A_33 = arith.constant 0 : i32
        %dma_start3A_34 = tpu.memref_slice %arg6[%scan3A_19, %run_scoped3A, %dma_start3A_33] : memref<79x2x128xi32, #tpu.memory_space<vmem>> -> memref<1x1x128xi32, #tpu.memory_space<vmem>>
        %dma_start3A_35 = tpu.memref_squeeze %dma_start3A_34 : memref<1x1x128xi32, #tpu.memory_space<vmem>> -> memref<128xi32, #tpu.memory_space<vmem>>
        %dma_start3A_36 = arith.constant 0 : i32
        %dma_start3A_37 = arith.constant 0 : i32
        %dma_start3A_38 = tpu.memref_slice %arg8[%dma_start3A_36, %dma_start3A_37] : memref<10016x256xbf16, #tpu.memory_space<vmem_shared>> -> memref<10016x256xbf16, #tpu.memory_space<vmem_shared>>
        tpu.enqueue_indirect_dma source(%arg7 : memref<128x256xbf16, #tpu.memory_space<vmem>>) target(%dma_start3A_38 : memref<10016x256xbf16, #tpu.memory_space<vmem_shared>>) offsets(%dma_start3A_35 : memref<128xi32, #tpu.memory_space<vmem>>) semaphore(%run_scoped3A_32 : memref<!tpu.dma_semaphore, #tpu.memory_space<semaphore_mem>>) {add = true}
        %dma_wait3A_39 = arith.constant 0 : i32
        %dma_wait3A_40 = tpu.memref_slice %arg6[%scan3A_19, %run_scoped3A, %dma_wait3A_39] : memref<79x2x128xi32, #tpu.memory_space<vmem>> -> memref<1x1x128xi32, #tpu.memory_space<vmem>>
        %dma_wait3A_41 = tpu.memref_squeeze %dma_wait3A_40 : memref<1x1x128xi32, #tpu.memory_space<vmem>> -> memref<128xi32, #tpu.memory_space<vmem>>
        %dma_wait3A_42 = arith.constant 0 : i32
        %dma_wait3A_43 = arith.constant 0 : i32
        %dma_wait3A_44 = tpu.memref_slice %arg8[%dma_wait3A_42, %dma_wait3A_43] : memref<10016x256xbf16, #tpu.memory_space<vmem_shared>> -> memref<10016x256xbf16, #tpu.memory_space<vmem_shared>>
        tpu.wait_indirect_dma semaphore(%run_scoped3A_32 : memref<!tpu.dma_semaphore, #tpu.memory_space<semaphore_mem>>) src(%arg7 : memref<128x256xbf16, #tpu.memory_space<vmem>>) dst(%dma_wait3A_44 : memref<10016x256xbf16, #tpu.memory_space<vmem_shared>>)
        tpu.yield
      }) : () -> ()
    }
    %scan3A_13 = arith.constant 79 : i32
    %barrier3A_14 = arith.constant 0 : index
    tpu.barrier barrier_id(%barrier3A_14)
    %mul3A_15 = arith.constant 624 : i32
    %mul3A_16 = arith.muli %arg1, %mul3A_15 : i32
    %mul3A_17 = arith.constant 624 : i32
    %mul3A_18 = arith.muli %arg1, %mul3A_17 : i32
    "tpu.region"() ({
      %run_scoped3A = tpu.sem_alloc : memref<!tpu.dma_semaphore, #tpu.memory_space<semaphore_mem>>
      %dma_start3A = arith.constant 0 : i32
      %dma_start3A_19 = tpu.memref_slice %arg5[%arg0, %mul3A_18, %dma_start3A] : memref<2x10000x256xbf16, #tpu.memory_space<hbm>> -> memref<1x640x256xbf16, #tpu.memory_space<hbm>>
      %dma_start3A_20 = tpu.memref_squeeze %dma_start3A_19 : memref<1x640x256xbf16, #tpu.memory_space<hbm>> -> memref<640x256xbf16, #tpu.memory_space<hbm>>
      %dma_start3A_21 = arith.constant 0 : i32
      %dma_start3A_22 = tpu.memref_slice %arg8[%mul3A_16, %dma_start3A_21] : memref<10016x256xbf16, #tpu.memory_space<vmem_shared>> -> memref<640x256xbf16, #tpu.memory_space<vmem_shared>>
      tpu.enqueue_dma source(%dma_start3A_22 : memref<640x256xbf16, #tpu.memory_space<vmem_shared>>) target(%dma_start3A_20 : memref<640x256xbf16, #tpu.memory_space<hbm>>) target_semaphore(%run_scoped3A : memref<!tpu.dma_semaphore, #tpu.memory_space<semaphore_mem>>)
      %dma_wait3A = arith.constant 0 : i32
      %dma_wait3A_23 = tpu.memref_slice %arg5[%arg0, %mul3A_18, %dma_wait3A] : memref<2x10000x256xbf16, #tpu.memory_space<hbm>> -> memref<1x640x256xbf16, #tpu.memory_space<hbm>>
      %dma_wait3A_24 = tpu.memref_squeeze %dma_wait3A_23 : memref<1x640x256xbf16, #tpu.memory_space<hbm>> -> memref<640x256xbf16, #tpu.memory_space<hbm>>
      %dma_wait3A_25 = arith.constant 0 : i32
      %dma_wait3A_26 = tpu.memref_slice %arg8[%mul3A_16, %dma_wait3A_25] : memref<10016x256xbf16, #tpu.memory_space<vmem_shared>> -> memref<640x256xbf16, #tpu.memory_space<vmem_shared>>
      tpu.wait_dma2 semaphore(%run_scoped3A : memref<!tpu.dma_semaphore, #tpu.memory_space<semaphore_mem>>) src(%dma_wait3A_26 : memref<640x256xbf16, #tpu.memory_space<vmem_shared>>) dst(%dma_wait3A_24 : memref<640x256xbf16, #tpu.memory_space<hbm>>)
      tpu.yield
    }) : () -> ()
    return
  }
}

#map = affine_map<(d0, d1) -> (0, 0, 0)>
#map1 = affine_map<(d0, d1) -> (0, 0)>
module attributes {stable_mosaic.version = 14 : i64} {
  func.func @_sc_degree_body(%arg0: i32, %arg1: i32, %arg2: memref<32x79x128xi32, #tpu.memory_space<hbm>>, %arg3: memref<10016x16xf32, #tpu.memory_space<hbm>>, %arg4: memref<128x16xf32, #tpu.memory_space<hbm>>, %arg5: memref<2x10000x16xf32, #tpu.memory_space<hbm>>, %arg6: memref<79x128xi32, #tpu.memory_space<vmem>>, %arg7: memref<128x16xf32, #tpu.memory_space<vmem>>, %arg8: memref<10016x16xf32, #tpu.memory_space<vmem_shared>>, %arg9: memref<!tpu.dma_semaphore, #tpu.memory_space<semaphore_mem>>) attributes {dimension_semantics = [#tpu.dimension_semantics<core_parallel>, #tpu.dimension_semantics<subcore_parallel>], iteration_bounds = array<i64: 2, 16>, scalar_prefetch = 0 : i64, scratch_operands = 4 : i64, tpu.core_type = #tpu.core_type<sc_vector_subcore>, window_params = [{transform_indices = #map}, {transform_indices = #map1}, {transform_indices = #map1}, {transform_indices = #map}]} {
    %mul3A = arith.constant 16 : i32
    %mul3A_0 = arith.muli %arg0, %mul3A : i32
    %add3A = arith.addi %mul3A_0, %arg1 : i32
    %mul3A_1 = arith.constant 624 : i32
    %mul3A_2 = arith.muli %arg1, %mul3A_1 : i32
    %mul3A_3 = arith.constant 624 : i32
    %mul3A_4 = arith.muli %arg1, %mul3A_3 : i32
    "tpu.region"() ({
      %run_scoped3A = tpu.sem_alloc : memref<!tpu.dma_semaphore, #tpu.memory_space<semaphore_mem>>
      %dma_start3A = arith.constant 0 : i32
      %dma_start3A_15 = tpu.memref_slice %arg8[%mul3A_4, %dma_start3A] : memref<10016x16xf32, #tpu.memory_space<vmem_shared>> -> memref<640x16xf32, #tpu.memory_space<vmem_shared>>
      %dma_start3A_16 = arith.constant 0 : i32
      %dma_start3A_17 = tpu.memref_slice %arg3[%mul3A_2, %dma_start3A_16] : memref<10016x16xf32, #tpu.memory_space<hbm>> -> memref<640x16xf32, #tpu.memory_space<hbm>>
      tpu.enqueue_dma source(%dma_start3A_17 : memref<640x16xf32, #tpu.memory_space<hbm>>) target(%dma_start3A_15 : memref<640x16xf32, #tpu.memory_space<vmem_shared>>) target_semaphore(%run_scoped3A : memref<!tpu.dma_semaphore, #tpu.memory_space<semaphore_mem>>)
      %dma_wait3A = arith.constant 0 : i32
      %dma_wait3A_18 = tpu.memref_slice %arg8[%mul3A_4, %dma_wait3A] : memref<10016x16xf32, #tpu.memory_space<vmem_shared>> -> memref<640x16xf32, #tpu.memory_space<vmem_shared>>
      %dma_wait3A_19 = arith.constant 0 : i32
      %dma_wait3A_20 = tpu.memref_slice %arg3[%mul3A_2, %dma_wait3A_19] : memref<10016x16xf32, #tpu.memory_space<hbm>> -> memref<640x16xf32, #tpu.memory_space<hbm>>
      tpu.wait_dma2 semaphore(%run_scoped3A : memref<!tpu.dma_semaphore, #tpu.memory_space<semaphore_mem>>) src(%dma_wait3A_20 : memref<640x16xf32, #tpu.memory_space<hbm>>) dst(%dma_wait3A_18 : memref<640x16xf32, #tpu.memory_space<vmem_shared>>)
      tpu.yield
    }) : () -> ()
    "tpu.region"() ({
      %run_scoped3A = tpu.sem_alloc : memref<!tpu.dma_semaphore, #tpu.memory_space<semaphore_mem>>
      tpu.enqueue_dma source(%arg4 : memref<128x16xf32, #tpu.memory_space<hbm>>) target(%arg7 : memref<128x16xf32, #tpu.memory_space<vmem>>) target_semaphore(%run_scoped3A : memref<!tpu.dma_semaphore, #tpu.memory_space<semaphore_mem>>)
      tpu.wait_dma2 semaphore(%run_scoped3A : memref<!tpu.dma_semaphore, #tpu.memory_space<semaphore_mem>>) src(%arg4 : memref<128x16xf32, #tpu.memory_space<hbm>>) dst(%arg7 : memref<128x16xf32, #tpu.memory_space<vmem>>)
      tpu.yield
    }) : () -> ()
    "tpu.region"() ({
      %run_scoped3A = tpu.sem_alloc : memref<!tpu.dma_semaphore, #tpu.memory_space<semaphore_mem>>
      %dma_start3A = arith.constant 0 : i32
      %dma_start3A_15 = arith.constant 0 : i32
      %dma_start3A_16 = tpu.memref_slice %arg2[%add3A, %dma_start3A, %dma_start3A_15] : memref<32x79x128xi32, #tpu.memory_space<hbm>> -> memref<1x79x128xi32, #tpu.memory_space<hbm>>
      %dma_start3A_17 = tpu.memref_squeeze %dma_start3A_16 : memref<1x79x128xi32, #tpu.memory_space<hbm>> -> memref<79x128xi32, #tpu.memory_space<hbm>>
      %dma_start3A_18 = arith.constant 0 : i32
      %dma_start3A_19 = arith.constant 0 : i32
      %dma_start3A_20 = tpu.memref_slice %arg2[%add3A, %dma_start3A_18, %dma_start3A_19] : memref<32x79x128xi32, #tpu.memory_space<hbm>> -> memref<1x79x128xi32, #tpu.memory_space<hbm>>
      %dma_start3A_21 = tpu.memref_squeeze %dma_start3A_20 : memref<1x79x128xi32, #tpu.memory_space<hbm>> -> memref<79x128xi32, #tpu.memory_space<hbm>>
      tpu.enqueue_dma source(%dma_start3A_21 : memref<79x128xi32, #tpu.memory_space<hbm>>) target(%arg6 : memref<79x128xi32, #tpu.memory_space<vmem>>) target_semaphore(%run_scoped3A : memref<!tpu.dma_semaphore, #tpu.memory_space<semaphore_mem>>)
      %dma_wait3A = arith.constant 0 : i32
      %dma_wait3A_22 = arith.constant 0 : i32
      %dma_wait3A_23 = tpu.memref_slice %arg2[%add3A, %dma_wait3A, %dma_wait3A_22] : memref<32x79x128xi32, #tpu.memory_space<hbm>> -> memref<1x79x128xi32, #tpu.memory_space<hbm>>
      %dma_wait3A_24 = tpu.memref_squeeze %dma_wait3A_23 : memref<1x79x128xi32, #tpu.memory_space<hbm>> -> memref<79x128xi32, #tpu.memory_space<hbm>>
      %dma_wait3A_25 = arith.constant 0 : i32
      %dma_wait3A_26 = arith.constant 0 : i32
      %dma_wait3A_27 = tpu.memref_slice %arg2[%add3A, %dma_wait3A_25, %dma_wait3A_26] : memref<32x79x128xi32, #tpu.memory_space<hbm>> -> memref<1x79x128xi32, #tpu.memory_space<hbm>>
      %dma_wait3A_28 = tpu.memref_squeeze %dma_wait3A_27 : memref<1x79x128xi32, #tpu.memory_space<hbm>> -> memref<79x128xi32, #tpu.memory_space<hbm>>
      tpu.wait_dma2 semaphore(%run_scoped3A : memref<!tpu.dma_semaphore, #tpu.memory_space<semaphore_mem>>) src(%dma_wait3A_28 : memref<79x128xi32, #tpu.memory_space<hbm>>) dst(%arg6 : memref<79x128xi32, #tpu.memory_space<vmem>>)
      tpu.yield
    }) : () -> ()
    %barrier3A = arith.constant 0 : index
    tpu.barrier barrier_id(%barrier3A)
    %scan3A = arith.constant 0 : i32
    %scan3A_5 = arith.constant 0 : i32
    %scan3A_6 = arith.constant 79 : i32
    %scan3A_7 = arith.addi %scan3A_5, %scan3A_6 : i32
    %scan3A_8 = arith.constant 1 : i32
    scf.for %scan3A_15 = %scan3A_5 to %scan3A_7 step %scan3A_8  : i32 {
      "tpu.region"() ({
        %run_scoped3A = tpu.sem_alloc : memref<!tpu.dma_semaphore, #tpu.memory_space<semaphore_mem>>
        %dma_start3A = arith.constant 0 : i32
        %dma_start3A_16 = tpu.memref_slice %arg6[%scan3A_15, %dma_start3A] : memref<79x128xi32, #tpu.memory_space<vmem>> -> memref<1x128xi32, #tpu.memory_space<vmem>>
        %dma_start3A_17 = tpu.memref_squeeze %dma_start3A_16 : memref<1x128xi32, #tpu.memory_space<vmem>> -> memref<128xi32, #tpu.memory_space<vmem>>
        %dma_start3A_18 = arith.constant 0 : i32
        %dma_start3A_19 = arith.constant 0 : i32
        %dma_start3A_20 = tpu.memref_slice %arg8[%dma_start3A_18, %dma_start3A_19] : memref<10016x16xf32, #tpu.memory_space<vmem_shared>> -> memref<10016x16xf32, #tpu.memory_space<vmem_shared>>
        tpu.enqueue_indirect_dma source(%arg7 : memref<128x16xf32, #tpu.memory_space<vmem>>) target(%dma_start3A_20 : memref<10016x16xf32, #tpu.memory_space<vmem_shared>>) offsets(%dma_start3A_17 : memref<128xi32, #tpu.memory_space<vmem>>) semaphore(%run_scoped3A : memref<!tpu.dma_semaphore, #tpu.memory_space<semaphore_mem>>) {add = true}
        %dma_wait3A = arith.constant 0 : i32
        %dma_wait3A_21 = tpu.memref_slice %arg6[%scan3A_15, %dma_wait3A] : memref<79x128xi32, #tpu.memory_space<vmem>> -> memref<1x128xi32, #tpu.memory_space<vmem>>
        %dma_wait3A_22 = tpu.memref_squeeze %dma_wait3A_21 : memref<1x128xi32, #tpu.memory_space<vmem>> -> memref<128xi32, #tpu.memory_space<vmem>>
        %dma_wait3A_23 = arith.constant 0 : i32
        %dma_wait3A_24 = arith.constant 0 : i32
        %dma_wait3A_25 = tpu.memref_slice %arg8[%dma_wait3A_23, %dma_wait3A_24] : memref<10016x16xf32, #tpu.memory_space<vmem_shared>> -> memref<10016x16xf32, #tpu.memory_space<vmem_shared>>
        tpu.wait_indirect_dma semaphore(%run_scoped3A : memref<!tpu.dma_semaphore, #tpu.memory_space<semaphore_mem>>) src(%arg7 : memref<128x16xf32, #tpu.memory_space<vmem>>) dst(%dma_wait3A_25 : memref<10016x16xf32, #tpu.memory_space<vmem_shared>>)
        tpu.yield
      }) : () -> ()
    }
    %scan3A_9 = arith.constant 79 : i32
    %barrier3A_10 = arith.constant 0 : index
    tpu.barrier barrier_id(%barrier3A_10)
    %mul3A_11 = arith.constant 624 : i32
    %mul3A_12 = arith.muli %arg1, %mul3A_11 : i32
    %mul3A_13 = arith.constant 624 : i32
    %mul3A_14 = arith.muli %arg1, %mul3A_13 : i32
    "tpu.region"() ({
      %run_scoped3A = tpu.sem_alloc : memref<!tpu.dma_semaphore, #tpu.memory_space<semaphore_mem>>
      %dma_start3A = arith.constant 0 : i32
      %dma_start3A_15 = tpu.memref_slice %arg5[%arg0, %mul3A_14, %dma_start3A] : memref<2x10000x16xf32, #tpu.memory_space<hbm>> -> memref<1x640x16xf32, #tpu.memory_space<hbm>>
      %dma_start3A_16 = tpu.memref_squeeze %dma_start3A_15 : memref<1x640x16xf32, #tpu.memory_space<hbm>> -> memref<640x16xf32, #tpu.memory_space<hbm>>
      %dma_start3A_17 = arith.constant 0 : i32
      %dma_start3A_18 = tpu.memref_slice %arg8[%mul3A_12, %dma_start3A_17] : memref<10016x16xf32, #tpu.memory_space<vmem_shared>> -> memref<640x16xf32, #tpu.memory_space<vmem_shared>>
      tpu.enqueue_dma source(%dma_start3A_18 : memref<640x16xf32, #tpu.memory_space<vmem_shared>>) target(%dma_start3A_16 : memref<640x16xf32, #tpu.memory_space<hbm>>) target_semaphore(%run_scoped3A : memref<!tpu.dma_semaphore, #tpu.memory_space<semaphore_mem>>)
      %dma_wait3A = arith.constant 0 : i32
      %dma_wait3A_19 = tpu.memref_slice %arg5[%arg0, %mul3A_14, %dma_wait3A] : memref<2x10000x16xf32, #tpu.memory_space<hbm>> -> memref<1x640x16xf32, #tpu.memory_space<hbm>>
      %dma_wait3A_20 = tpu.memref_squeeze %dma_wait3A_19 : memref<1x640x16xf32, #tpu.memory_space<hbm>> -> memref<640x16xf32, #tpu.memory_space<hbm>>
      %dma_wait3A_21 = arith.constant 0 : i32
      %dma_wait3A_22 = tpu.memref_slice %arg8[%mul3A_12, %dma_wait3A_21] : memref<10016x16xf32, #tpu.memory_space<vmem_shared>> -> memref<640x16xf32, #tpu.memory_space<vmem_shared>>
      tpu.wait_dma2 semaphore(%run_scoped3A : memref<!tpu.dma_semaphore, #tpu.memory_space<semaphore_mem>>) src(%dma_wait3A_22 : memref<640x16xf32, #tpu.memory_space<vmem_shared>>) dst(%dma_wait3A_20 : memref<640x16xf32, #tpu.memory_space<hbm>>)
      tpu.yield
    }) : () -> ()
    return
  }
}

#map = affine_map<(d0, d1) -> (0, 0)>
#map1 = affine_map<(d0, d1) -> (0, 0, 0)>
module attributes {stable_mosaic.version = 14 : i64} {
  func.func @_sc_prop_body(%arg0: i32, %arg1: i32, %arg2: memref<10000x256xbf16, #tpu.memory_space<hbm>>, %arg3: memref<10000x256xbf16, #tpu.memory_space<hbm>>, %arg4: memref<2528x2x128xi32, #tpu.memory_space<hbm>>, %arg5: memref<2x10000x256xbf16, #tpu.memory_space<hbm>>, %arg6: memref<79x2x128xi32, #tpu.memory_space<vmem>>, %arg7: memref<128x256xbf16, #tpu.memory_space<vmem>>, %arg8: memref<10016x256xbf16, #tpu.memory_space<vmem_shared>>, %arg9: memref<!tpu.dma_semaphore, #tpu.memory_space<semaphore_mem>>) attributes {dimension_semantics = [#tpu.dimension_semantics<core_parallel>, #tpu.dimension_semantics<subcore_parallel>], iteration_bounds = array<i64: 2, 16>, scalar_prefetch = 0 : i64, scratch_operands = 4 : i64, tpu.core_type = #tpu.core_type<sc_vector_subcore>, window_params = [{transform_indices = #map}, {transform_indices = #map}, {transform_indices = #map1}, {transform_indices = #map1}]} {
    %mul3A = arith.constant 16 : i32
    %mul3A_0 = arith.muli %arg0, %mul3A : i32
    %add3A = arith.addi %mul3A_0, %arg1 : i32
    %mul3A_1 = arith.constant 79 : i32
    %mul3A_2 = arith.muli %add3A, %mul3A_1 : i32
    "tpu.region"() ({
      %run_scoped3A = tpu.sem_alloc : memref<!tpu.dma_semaphore, #tpu.memory_space<semaphore_mem>>
      %dma_start3A = arith.constant 0 : i32
      %dma_start3A_19 = arith.constant 0 : i32
      %dma_start3A_20 = tpu.memref_slice %arg4[%mul3A_2, %dma_start3A, %dma_start3A_19] : memref<2528x2x128xi32, #tpu.memory_space<hbm>> -> memref<79x2x128xi32, #tpu.memory_space<hbm>>
      %dma_start3A_21 = arith.constant 0 : i32
      %dma_start3A_22 = arith.constant 0 : i32
      %dma_start3A_23 = tpu.memref_slice %arg4[%mul3A_2, %dma_start3A_21, %dma_start3A_22] : memref<2528x2x128xi32, #tpu.memory_space<hbm>> -> memref<79x2x128xi32, #tpu.memory_space<hbm>>
      tpu.enqueue_dma source(%dma_start3A_23 : memref<79x2x128xi32, #tpu.memory_space<hbm>>) target(%arg6 : memref<79x2x128xi32, #tpu.memory_space<vmem>>) target_semaphore(%run_scoped3A : memref<!tpu.dma_semaphore, #tpu.memory_space<semaphore_mem>>)
      %dma_wait3A = arith.constant 0 : i32
      %dma_wait3A_24 = arith.constant 0 : i32
      %dma_wait3A_25 = tpu.memref_slice %arg4[%mul3A_2, %dma_wait3A, %dma_wait3A_24] : memref<2528x2x128xi32, #tpu.memory_space<hbm>> -> memref<79x2x128xi32, #tpu.memory_space<hbm>>
      %dma_wait3A_26 = arith.constant 0 : i32
      %dma_wait3A_27 = arith.constant 0 : i32
      %dma_wait3A_28 = tpu.memref_slice %arg4[%mul3A_2, %dma_wait3A_26, %dma_wait3A_27] : memref<2528x2x128xi32, #tpu.memory_space<hbm>> -> memref<79x2x128xi32, #tpu.memory_space<hbm>>
      tpu.wait_dma2 semaphore(%run_scoped3A : memref<!tpu.dma_semaphore, #tpu.memory_space<semaphore_mem>>) src(%dma_wait3A_28 : memref<79x2x128xi32, #tpu.memory_space<hbm>>) dst(%arg6 : memref<79x2x128xi32, #tpu.memory_space<vmem>>)
      tpu.yield
    }) : () -> ()
    %eq3A = arith.constant 0 : i32
    %eq3A_3 = arith.cmpi eq, %arg0, %eq3A : i32
    %convert_element_type3A = arith.extui %eq3A_3 : i1 to i32
    %cond3A = arith.constant 0 : i32
    %cond3A_4 = arith.cmpi ne, %convert_element_type3A, %cond3A : i32
    scf.if %cond3A_4 {
      %mul3A_19 = arith.constant 624 : i32
      %mul3A_20 = arith.muli %arg1, %mul3A_19 : i32
      %mul3A_21 = arith.constant 624 : i32
      %mul3A_22 = arith.muli %arg1, %mul3A_21 : i32
      "tpu.region"() ({
        %run_scoped3A = tpu.sem_alloc : memref<!tpu.dma_semaphore, #tpu.memory_space<semaphore_mem>>
        %dma_start3A = arith.constant 0 : i32
        %dma_start3A_23 = tpu.memref_slice %arg8[%mul3A_22, %dma_start3A] : memref<10016x256xbf16, #tpu.memory_space<vmem_shared>> -> memref<640x256xbf16, #tpu.memory_space<vmem_shared>>
        %dma_start3A_24 = arith.constant 0 : i32
        %dma_start3A_25 = tpu.memref_slice %arg2[%mul3A_20, %dma_start3A_24] : memref<10000x256xbf16, #tpu.memory_space<hbm>> -> memref<640x256xbf16, #tpu.memory_space<hbm>>
        tpu.enqueue_dma source(%dma_start3A_25 : memref<640x256xbf16, #tpu.memory_space<hbm>>) target(%dma_start3A_23 : memref<640x256xbf16, #tpu.memory_space<vmem_shared>>) target_semaphore(%run_scoped3A : memref<!tpu.dma_semaphore, #tpu.memory_space<semaphore_mem>>)
        %dma_wait3A = arith.constant 0 : i32
        %dma_wait3A_26 = tpu.memref_slice %arg8[%mul3A_22, %dma_wait3A] : memref<10016x256xbf16, #tpu.memory_space<vmem_shared>> -> memref<640x256xbf16, #tpu.memory_space<vmem_shared>>
        %dma_wait3A_27 = arith.constant 0 : i32
        %dma_wait3A_28 = tpu.memref_slice %arg2[%mul3A_20, %dma_wait3A_27] : memref<10000x256xbf16, #tpu.memory_space<hbm>> -> memref<640x256xbf16, #tpu.memory_space<hbm>>
        tpu.wait_dma2 semaphore(%run_scoped3A : memref<!tpu.dma_semaphore, #tpu.memory_space<semaphore_mem>>) src(%dma_wait3A_28 : memref<640x256xbf16, #tpu.memory_space<hbm>>) dst(%dma_wait3A_26 : memref<640x256xbf16, #tpu.memory_space<vmem_shared>>)
        tpu.yield
      }) : () -> ()
    } else {
    }
    %ne3A = arith.constant 0 : i32
    %ne3A_5 = arith.cmpi ne, %arg0, %ne3A : i32
    %convert_element_type3A_6 = arith.extui %ne3A_5 : i1 to i32
    %cond3A_7 = arith.constant 0 : i32
    %cond3A_8 = arith.cmpi ne, %convert_element_type3A_6, %cond3A_7 : i32
    scf.if %cond3A_8 {
      %mul3A_19 = arith.constant 624 : i32
      %mul3A_20 = arith.muli %arg1, %mul3A_19 : i32
      %mul3A_21 = arith.constant 624 : i32
      %mul3A_22 = arith.muli %arg1, %mul3A_21 : i32
      "tpu.region"() ({
        %run_scoped3A = tpu.sem_alloc : memref<!tpu.dma_semaphore, #tpu.memory_space<semaphore_mem>>
        %dma_start3A = arith.constant 0 : i32
        %dma_start3A_23 = tpu.memref_slice %arg8[%mul3A_22, %dma_start3A] : memref<10016x256xbf16, #tpu.memory_space<vmem_shared>> -> memref<640x256xbf16, #tpu.memory_space<vmem_shared>>
        %dma_start3A_24 = arith.constant 0 : i32
        %dma_start3A_25 = tpu.memref_slice %arg3[%mul3A_20, %dma_start3A_24] : memref<10000x256xbf16, #tpu.memory_space<hbm>> -> memref<640x256xbf16, #tpu.memory_space<hbm>>
        tpu.enqueue_dma source(%dma_start3A_25 : memref<640x256xbf16, #tpu.memory_space<hbm>>) target(%dma_start3A_23 : memref<640x256xbf16, #tpu.memory_space<vmem_shared>>) target_semaphore(%run_scoped3A : memref<!tpu.dma_semaphore, #tpu.memory_space<semaphore_mem>>)
        %dma_wait3A = arith.constant 0 : i32
        %dma_wait3A_26 = tpu.memref_slice %arg8[%mul3A_22, %dma_wait3A] : memref<10016x256xbf16, #tpu.memory_space<vmem_shared>> -> memref<640x256xbf16, #tpu.memory_space<vmem_shared>>
        %dma_wait3A_27 = arith.constant 0 : i32
        %dma_wait3A_28 = tpu.memref_slice %arg3[%mul3A_20, %dma_wait3A_27] : memref<10000x256xbf16, #tpu.memory_space<hbm>> -> memref<640x256xbf16, #tpu.memory_space<hbm>>
        tpu.wait_dma2 semaphore(%run_scoped3A : memref<!tpu.dma_semaphore, #tpu.memory_space<semaphore_mem>>) src(%dma_wait3A_28 : memref<640x256xbf16, #tpu.memory_space<hbm>>) dst(%dma_wait3A_26 : memref<640x256xbf16, #tpu.memory_space<vmem_shared>>)
        tpu.yield
      }) : () -> ()
    } else {
    }
    %barrier3A = arith.constant 0 : index
    tpu.barrier barrier_id(%barrier3A)
    %scan3A = arith.constant 0 : i32
    %scan3A_9 = arith.constant 0 : i32
    %scan3A_10 = arith.constant 79 : i32
    %scan3A_11 = arith.addi %scan3A_9, %scan3A_10 : i32
    %scan3A_12 = arith.constant 1 : i32
    scf.for %scan3A_19 = %scan3A_9 to %scan3A_11 step %scan3A_12  : i32 {
      %dma_start3A = arith.constant 0 : i32
      %dma_start3A_20 = arith.constant 0 : i32
      %dma_start3A_21 = tpu.memref_slice %arg6[%scan3A_19, %dma_start3A, %dma_start3A_20] : memref<79x2x128xi32, #tpu.memory_space<vmem>> -> memref<1x1x128xi32, #tpu.memory_space<vmem>>
      %dma_start3A_22 = tpu.memref_squeeze %dma_start3A_21 : memref<1x1x128xi32, #tpu.memory_space<vmem>> -> memref<128xi32, #tpu.memory_space<vmem>>
      %dma_start3A_23 = arith.constant 0 : i32
      %dma_start3A_24 = arith.constant 0 : i32
      %dma_start3A_25 = tpu.memref_slice %arg2[%dma_start3A_23, %dma_start3A_24] : memref<10000x256xbf16, #tpu.memory_space<hbm>> -> memref<10000x256xbf16, #tpu.memory_space<hbm>>
      tpu.enqueue_indirect_dma source(%dma_start3A_25 : memref<10000x256xbf16, #tpu.memory_space<hbm>>) target(%arg7 : memref<128x256xbf16, #tpu.memory_space<vmem>>) offsets(%dma_start3A_22 : memref<128xi32, #tpu.memory_space<vmem>>) semaphore(%arg9 : memref<!tpu.dma_semaphore, #tpu.memory_space<semaphore_mem>>)
      %dma_wait3A = arith.constant 0 : i32
      %dma_wait3A_26 = arith.constant 0 : i32
      %dma_wait3A_27 = tpu.memref_slice %arg6[%scan3A_19, %dma_wait3A, %dma_wait3A_26] : memref<79x2x128xi32, #tpu.memory_space<vmem>> -> memref<1x1x128xi32, #tpu.memory_space<vmem>>
      %dma_wait3A_28 = tpu.memref_squeeze %dma_wait3A_27 : memref<1x1x128xi32, #tpu.memory_space<vmem>> -> memref<128xi32, #tpu.memory_space<vmem>>
      %dma_wait3A_29 = arith.constant 0 : i32
      %dma_wait3A_30 = arith.constant 0 : i32
      %dma_wait3A_31 = tpu.memref_slice %arg2[%dma_wait3A_29, %dma_wait3A_30] : memref<10000x256xbf16, #tpu.memory_space<hbm>> -> memref<10000x256xbf16, #tpu.memory_space<hbm>>
      tpu.wait_indirect_dma semaphore(%arg9 : memref<!tpu.dma_semaphore, #tpu.memory_space<semaphore_mem>>) src(%dma_wait3A_31 : memref<10000x256xbf16, #tpu.memory_space<hbm>>) dst(%arg7 : memref<128x256xbf16, #tpu.memory_space<vmem>>)
      %run_scoped3A = arith.constant 1 : i32
      "tpu.region"() ({
        %run_scoped3A_32 = tpu.sem_alloc : memref<!tpu.dma_semaphore, #tpu.memory_space<semaphore_mem>>
        %dma_start3A_33 = arith.constant 0 : i32
        %dma_start3A_34 = tpu.memref_slice %arg6[%scan3A_19, %run_scoped3A, %dma_start3A_33] : memref<79x2x128xi32, #tpu.memory_space<vmem>> -> memref<1x1x128xi32, #tpu.memory_space<vmem>>
        %dma_start3A_35 = tpu.memref_squeeze %dma_start3A_34 : memref<1x1x128xi32, #tpu.memory_space<vmem>> -> memref<128xi32, #tpu.memory_space<vmem>>
        %dma_start3A_36 = arith.constant 0 : i32
        %dma_start3A_37 = arith.constant 0 : i32
        %dma_start3A_38 = tpu.memref_slice %arg8[%dma_start3A_36, %dma_start3A_37] : memref<10016x256xbf16, #tpu.memory_space<vmem_shared>> -> memref<10016x256xbf16, #tpu.memory_space<vmem_shared>>
        tpu.enqueue_indirect_dma source(%arg7 : memref<128x256xbf16, #tpu.memory_space<vmem>>) target(%dma_start3A_38 : memref<10016x256xbf16, #tpu.memory_space<vmem_shared>>) offsets(%dma_start3A_35 : memref<128xi32, #tpu.memory_space<vmem>>) semaphore(%run_scoped3A_32 : memref<!tpu.dma_semaphore, #tpu.memory_space<semaphore_mem>>) {add = true}
        %dma_wait3A_39 = arith.constant 0 : i32
        %dma_wait3A_40 = tpu.memref_slice %arg6[%scan3A_19, %run_scoped3A, %dma_wait3A_39] : memref<79x2x128xi32, #tpu.memory_space<vmem>> -> memref<1x1x128xi32, #tpu.memory_space<vmem>>
        %dma_wait3A_41 = tpu.memref_squeeze %dma_wait3A_40 : memref<1x1x128xi32, #tpu.memory_space<vmem>> -> memref<128xi32, #tpu.memory_space<vmem>>
        %dma_wait3A_42 = arith.constant 0 : i32
        %dma_wait3A_43 = arith.constant 0 : i32
        %dma_wait3A_44 = tpu.memref_slice %arg8[%dma_wait3A_42, %dma_wait3A_43] : memref<10016x256xbf16, #tpu.memory_space<vmem_shared>> -> memref<10016x256xbf16, #tpu.memory_space<vmem_shared>>
        tpu.wait_indirect_dma semaphore(%run_scoped3A_32 : memref<!tpu.dma_semaphore, #tpu.memory_space<semaphore_mem>>) src(%arg7 : memref<128x256xbf16, #tpu.memory_space<vmem>>) dst(%dma_wait3A_44 : memref<10016x256xbf16, #tpu.memory_space<vmem_shared>>)
        tpu.yield
      }) : () -> ()
    }
    %scan3A_13 = arith.constant 79 : i32
    %barrier3A_14 = arith.constant 0 : index
    tpu.barrier barrier_id(%barrier3A_14)
    %mul3A_15 = arith.constant 624 : i32
    %mul3A_16 = arith.muli %arg1, %mul3A_15 : i32
    %mul3A_17 = arith.constant 624 : i32
    %mul3A_18 = arith.muli %arg1, %mul3A_17 : i32
    "tpu.region"() ({
      %run_scoped3A = tpu.sem_alloc : memref<!tpu.dma_semaphore, #tpu.memory_space<semaphore_mem>>
      %dma_start3A = arith.constant 0 : i32
      %dma_start3A_19 = tpu.memref_slice %arg5[%arg0, %mul3A_18, %dma_start3A] : memref<2x10000x256xbf16, #tpu.memory_space<hbm>> -> memref<1x640x256xbf16, #tpu.memory_space<hbm>>
      %dma_start3A_20 = tpu.memref_squeeze %dma_start3A_19 : memref<1x640x256xbf16, #tpu.memory_space<hbm>> -> memref<640x256xbf16, #tpu.memory_space<hbm>>
      %dma_start3A_21 = arith.constant 0 : i32
      %dma_start3A_22 = tpu.memref_slice %arg8[%mul3A_16, %dma_start3A_21] : memref<10016x256xbf16, #tpu.memory_space<vmem_shared>> -> memref<640x256xbf16, #tpu.memory_space<vmem_shared>>
      tpu.enqueue_dma source(%dma_start3A_22 : memref<640x256xbf16, #tpu.memory_space<vmem_shared>>) target(%dma_start3A_20 : memref<640x256xbf16, #tpu.memory_space<hbm>>) target_semaphore(%run_scoped3A : memref<!tpu.dma_semaphore, #tpu.memory_space<semaphore_mem>>)
      %dma_wait3A = arith.constant 0 : i32
      %dma_wait3A_23 = tpu.memref_slice %arg5[%arg0, %mul3A_18, %dma_wait3A] : memref<2x10000x256xbf16, #tpu.memory_space<hbm>> -> memref<1x640x256xbf16, #tpu.memory_space<hbm>>
      %dma_wait3A_24 = tpu.memref_squeeze %dma_wait3A_23 : memref<1x640x256xbf16, #tpu.memory_space<hbm>> -> memref<640x256xbf16, #tpu.memory_space<hbm>>
      %dma_wait3A_25 = arith.constant 0 : i32
      %dma_wait3A_26 = tpu.memref_slice %arg8[%mul3A_16, %dma_wait3A_25] : memref<10016x256xbf16, #tpu.memory_space<vmem_shared>> -> memref<640x256xbf16, #tpu.memory_space<vmem_shared>>
      tpu.wait_dma2 semaphore(%run_scoped3A : memref<!tpu.dma_semaphore, #tpu.memory_space<semaphore_mem>>) src(%dma_wait3A_26 : memref<640x256xbf16, #tpu.memory_space<vmem_shared>>) dst(%dma_wait3A_24 : memref<640x256xbf16, #tpu.memory_space<hbm>>)
      tpu.yield
    }) : () -> ()
    return
  }
}

#map = affine_map<(d0, d1) -> (0, 0)>
#map1 = affine_map<(d0, d1) -> (0, 0, 0)>
module attributes {stable_mosaic.version = 14 : i64} {
  func.func @_sc_prop_body(%arg0: i32, %arg1: i32, %arg2: memref<10000x256xbf16, #tpu.memory_space<hbm>>, %arg3: memref<10000x256xbf16, #tpu.memory_space<hbm>>, %arg4: memref<2528x2x128xi32, #tpu.memory_space<hbm>>, %arg5: memref<2x10000x256xbf16, #tpu.memory_space<hbm>>, %arg6: memref<79x2x128xi32, #tpu.memory_space<vmem>>, %arg7: memref<128x256xbf16, #tpu.memory_space<vmem>>, %arg8: memref<10016x256xbf16, #tpu.memory_space<vmem_shared>>, %arg9: memref<!tpu.dma_semaphore, #tpu.memory_space<semaphore_mem>>) attributes {dimension_semantics = [#tpu.dimension_semantics<core_parallel>, #tpu.dimension_semantics<subcore_parallel>], iteration_bounds = array<i64: 2, 16>, scalar_prefetch = 0 : i64, scratch_operands = 4 : i64, tpu.core_type = #tpu.core_type<sc_vector_subcore>, window_params = [{transform_indices = #map}, {transform_indices = #map}, {transform_indices = #map1}, {transform_indices = #map1}]} {
    %mul3A = arith.constant 16 : i32
    %mul3A_0 = arith.muli %arg0, %mul3A : i32
    %add3A = arith.addi %mul3A_0, %arg1 : i32
    %mul3A_1 = arith.constant 79 : i32
    %mul3A_2 = arith.muli %add3A, %mul3A_1 : i32
    "tpu.region"() ({
      %run_scoped3A = tpu.sem_alloc : memref<!tpu.dma_semaphore, #tpu.memory_space<semaphore_mem>>
      %dma_start3A = arith.constant 0 : i32
      %dma_start3A_19 = arith.constant 0 : i32
      %dma_start3A_20 = tpu.memref_slice %arg4[%mul3A_2, %dma_start3A, %dma_start3A_19] : memref<2528x2x128xi32, #tpu.memory_space<hbm>> -> memref<79x2x128xi32, #tpu.memory_space<hbm>>
      %dma_start3A_21 = arith.constant 0 : i32
      %dma_start3A_22 = arith.constant 0 : i32
      %dma_start3A_23 = tpu.memref_slice %arg4[%mul3A_2, %dma_start3A_21, %dma_start3A_22] : memref<2528x2x128xi32, #tpu.memory_space<hbm>> -> memref<79x2x128xi32, #tpu.memory_space<hbm>>
      tpu.enqueue_dma source(%dma_start3A_23 : memref<79x2x128xi32, #tpu.memory_space<hbm>>) target(%arg6 : memref<79x2x128xi32, #tpu.memory_space<vmem>>) target_semaphore(%run_scoped3A : memref<!tpu.dma_semaphore, #tpu.memory_space<semaphore_mem>>)
      %dma_wait3A = arith.constant 0 : i32
      %dma_wait3A_24 = arith.constant 0 : i32
      %dma_wait3A_25 = tpu.memref_slice %arg4[%mul3A_2, %dma_wait3A, %dma_wait3A_24] : memref<2528x2x128xi32, #tpu.memory_space<hbm>> -> memref<79x2x128xi32, #tpu.memory_space<hbm>>
      %dma_wait3A_26 = arith.constant 0 : i32
      %dma_wait3A_27 = arith.constant 0 : i32
      %dma_wait3A_28 = tpu.memref_slice %arg4[%mul3A_2, %dma_wait3A_26, %dma_wait3A_27] : memref<2528x2x128xi32, #tpu.memory_space<hbm>> -> memref<79x2x128xi32, #tpu.memory_space<hbm>>
      tpu.wait_dma2 semaphore(%run_scoped3A : memref<!tpu.dma_semaphore, #tpu.memory_space<semaphore_mem>>) src(%dma_wait3A_28 : memref<79x2x128xi32, #tpu.memory_space<hbm>>) dst(%arg6 : memref<79x2x128xi32, #tpu.memory_space<vmem>>)
      tpu.yield
    }) : () -> ()
    %eq3A = arith.constant 0 : i32
    %eq3A_3 = arith.cmpi eq, %arg0, %eq3A : i32
    %convert_element_type3A = arith.extui %eq3A_3 : i1 to i32
    %cond3A = arith.constant 0 : i32
    %cond3A_4 = arith.cmpi ne, %convert_element_type3A, %cond3A : i32
    scf.if %cond3A_4 {
      %mul3A_19 = arith.constant 624 : i32
      %mul3A_20 = arith.muli %arg1, %mul3A_19 : i32
      %mul3A_21 = arith.constant 624 : i32
      %mul3A_22 = arith.muli %arg1, %mul3A_21 : i32
      "tpu.region"() ({
        %run_scoped3A = tpu.sem_alloc : memref<!tpu.dma_semaphore, #tpu.memory_space<semaphore_mem>>
        %dma_start3A = arith.constant 0 : i32
        %dma_start3A_23 = tpu.memref_slice %arg8[%mul3A_22, %dma_start3A] : memref<10016x256xbf16, #tpu.memory_space<vmem_shared>> -> memref<640x256xbf16, #tpu.memory_space<vmem_shared>>
        %dma_start3A_24 = arith.constant 0 : i32
        %dma_start3A_25 = tpu.memref_slice %arg2[%mul3A_20, %dma_start3A_24] : memref<10000x256xbf16, #tpu.memory_space<hbm>> -> memref<640x256xbf16, #tpu.memory_space<hbm>>
        tpu.enqueue_dma source(%dma_start3A_25 : memref<640x256xbf16, #tpu.memory_space<hbm>>) target(%dma_start3A_23 : memref<640x256xbf16, #tpu.memory_space<vmem_shared>>) target_semaphore(%run_scoped3A : memref<!tpu.dma_semaphore, #tpu.memory_space<semaphore_mem>>)
        %dma_wait3A = arith.constant 0 : i32
        %dma_wait3A_26 = tpu.memref_slice %arg8[%mul3A_22, %dma_wait3A] : memref<10016x256xbf16, #tpu.memory_space<vmem_shared>> -> memref<640x256xbf16, #tpu.memory_space<vmem_shared>>
        %dma_wait3A_27 = arith.constant 0 : i32
        %dma_wait3A_28 = tpu.memref_slice %arg2[%mul3A_20, %dma_wait3A_27] : memref<10000x256xbf16, #tpu.memory_space<hbm>> -> memref<640x256xbf16, #tpu.memory_space<hbm>>
        tpu.wait_dma2 semaphore(%run_scoped3A : memref<!tpu.dma_semaphore, #tpu.memory_space<semaphore_mem>>) src(%dma_wait3A_28 : memref<640x256xbf16, #tpu.memory_space<hbm>>) dst(%dma_wait3A_26 : memref<640x256xbf16, #tpu.memory_space<vmem_shared>>)
        tpu.yield
      }) : () -> ()
    } else {
    }
    %ne3A = arith.constant 0 : i32
    %ne3A_5 = arith.cmpi ne, %arg0, %ne3A : i32
    %convert_element_type3A_6 = arith.extui %ne3A_5 : i1 to i32
    %cond3A_7 = arith.constant 0 : i32
    %cond3A_8 = arith.cmpi ne, %convert_element_type3A_6, %cond3A_7 : i32
    scf.if %cond3A_8 {
      %mul3A_19 = arith.constant 624 : i32
      %mul3A_20 = arith.muli %arg1, %mul3A_19 : i32
      %mul3A_21 = arith.constant 624 : i32
      %mul3A_22 = arith.muli %arg1, %mul3A_21 : i32
      "tpu.region"() ({
        %run_scoped3A = tpu.sem_alloc : memref<!tpu.dma_semaphore, #tpu.memory_space<semaphore_mem>>
        %dma_start3A = arith.constant 0 : i32
        %dma_start3A_23 = tpu.memref_slice %arg8[%mul3A_22, %dma_start3A] : memref<10016x256xbf16, #tpu.memory_space<vmem_shared>> -> memref<640x256xbf16, #tpu.memory_space<vmem_shared>>
        %dma_start3A_24 = arith.constant 0 : i32
        %dma_start3A_25 = tpu.memref_slice %arg3[%mul3A_20, %dma_start3A_24] : memref<10000x256xbf16, #tpu.memory_space<hbm>> -> memref<640x256xbf16, #tpu.memory_space<hbm>>
        tpu.enqueue_dma source(%dma_start3A_25 : memref<640x256xbf16, #tpu.memory_space<hbm>>) target(%dma_start3A_23 : memref<640x256xbf16, #tpu.memory_space<vmem_shared>>) target_semaphore(%run_scoped3A : memref<!tpu.dma_semaphore, #tpu.memory_space<semaphore_mem>>)
        %dma_wait3A = arith.constant 0 : i32
        %dma_wait3A_26 = tpu.memref_slice %arg8[%mul3A_22, %dma_wait3A] : memref<10016x256xbf16, #tpu.memory_space<vmem_shared>> -> memref<640x256xbf16, #tpu.memory_space<vmem_shared>>
        %dma_wait3A_27 = arith.constant 0 : i32
        %dma_wait3A_28 = tpu.memref_slice %arg3[%mul3A_20, %dma_wait3A_27] : memref<10000x256xbf16, #tpu.memory_space<hbm>> -> memref<640x256xbf16, #tpu.memory_space<hbm>>
        tpu.wait_dma2 semaphore(%run_scoped3A : memref<!tpu.dma_semaphore, #tpu.memory_space<semaphore_mem>>) src(%dma_wait3A_28 : memref<640x256xbf16, #tpu.memory_space<hbm>>) dst(%dma_wait3A_26 : memref<640x256xbf16, #tpu.memory_space<vmem_shared>>)
        tpu.yield
      }) : () -> ()
    } else {
    }
    %barrier3A = arith.constant 0 : index
    tpu.barrier barrier_id(%barrier3A)
    %scan3A = arith.constant 0 : i32
    %scan3A_9 = arith.constant 0 : i32
    %scan3A_10 = arith.constant 79 : i32
    %scan3A_11 = arith.addi %scan3A_9, %scan3A_10 : i32
    %scan3A_12 = arith.constant 1 : i32
    scf.for %scan3A_19 = %scan3A_9 to %scan3A_11 step %scan3A_12  : i32 {
      %dma_start3A = arith.constant 0 : i32
      %dma_start3A_20 = arith.constant 0 : i32
      %dma_start3A_21 = tpu.memref_slice %arg6[%scan3A_19, %dma_start3A, %dma_start3A_20] : memref<79x2x128xi32, #tpu.memory_space<vmem>> -> memref<1x1x128xi32, #tpu.memory_space<vmem>>
      %dma_start3A_22 = tpu.memref_squeeze %dma_start3A_21 : memref<1x1x128xi32, #tpu.memory_space<vmem>> -> memref<128xi32, #tpu.memory_space<vmem>>
      %dma_start3A_23 = arith.constant 0 : i32
      %dma_start3A_24 = arith.constant 0 : i32
      %dma_start3A_25 = tpu.memref_slice %arg2[%dma_start3A_23, %dma_start3A_24] : memref<10000x256xbf16, #tpu.memory_space<hbm>> -> memref<10000x256xbf16, #tpu.memory_space<hbm>>
      tpu.enqueue_indirect_dma source(%dma_start3A_25 : memref<10000x256xbf16, #tpu.memory_space<hbm>>) target(%arg7 : memref<128x256xbf16, #tpu.memory_space<vmem>>) offsets(%dma_start3A_22 : memref<128xi32, #tpu.memory_space<vmem>>) semaphore(%arg9 : memref<!tpu.dma_semaphore, #tpu.memory_space<semaphore_mem>>)
      %dma_wait3A = arith.constant 0 : i32
      %dma_wait3A_26 = arith.constant 0 : i32
      %dma_wait3A_27 = tpu.memref_slice %arg6[%scan3A_19, %dma_wait3A, %dma_wait3A_26] : memref<79x2x128xi32, #tpu.memory_space<vmem>> -> memref<1x1x128xi32, #tpu.memory_space<vmem>>
      %dma_wait3A_28 = tpu.memref_squeeze %dma_wait3A_27 : memref<1x1x128xi32, #tpu.memory_space<vmem>> -> memref<128xi32, #tpu.memory_space<vmem>>
      %dma_wait3A_29 = arith.constant 0 : i32
      %dma_wait3A_30 = arith.constant 0 : i32
      %dma_wait3A_31 = tpu.memref_slice %arg2[%dma_wait3A_29, %dma_wait3A_30] : memref<10000x256xbf16, #tpu.memory_space<hbm>> -> memref<10000x256xbf16, #tpu.memory_space<hbm>>
      tpu.wait_indirect_dma semaphore(%arg9 : memref<!tpu.dma_semaphore, #tpu.memory_space<semaphore_mem>>) src(%dma_wait3A_31 : memref<10000x256xbf16, #tpu.memory_space<hbm>>) dst(%arg7 : memref<128x256xbf16, #tpu.memory_space<vmem>>)
      %run_scoped3A = arith.constant 1 : i32
      "tpu.region"() ({
        %run_scoped3A_32 = tpu.sem_alloc : memref<!tpu.dma_semaphore, #tpu.memory_space<semaphore_mem>>
        %dma_start3A_33 = arith.constant 0 : i32
        %dma_start3A_34 = tpu.memref_slice %arg6[%scan3A_19, %run_scoped3A, %dma_start3A_33] : memref<79x2x128xi32, #tpu.memory_space<vmem>> -> memref<1x1x128xi32, #tpu.memory_space<vmem>>
        %dma_start3A_35 = tpu.memref_squeeze %dma_start3A_34 : memref<1x1x128xi32, #tpu.memory_space<vmem>> -> memref<128xi32, #tpu.memory_space<vmem>>
        %dma_start3A_36 = arith.constant 0 : i32
        %dma_start3A_37 = arith.constant 0 : i32
        %dma_start3A_38 = tpu.memref_slice %arg8[%dma_start3A_36, %dma_start3A_37] : memref<10016x256xbf16, #tpu.memory_space<vmem_shared>> -> memref<10016x256xbf16, #tpu.memory_space<vmem_shared>>
        tpu.enqueue_indirect_dma source(%arg7 : memref<128x256xbf16, #tpu.memory_space<vmem>>) target(%dma_start3A_38 : memref<10016x256xbf16, #tpu.memory_space<vmem_shared>>) offsets(%dma_start3A_35 : memref<128xi32, #tpu.memory_space<vmem>>) semaphore(%run_scoped3A_32 : memref<!tpu.dma_semaphore, #tpu.memory_space<semaphore_mem>>) {add = true}
        %dma_wait3A_39 = arith.constant 0 : i32
        %dma_wait3A_40 = tpu.memref_slice %arg6[%scan3A_19, %run_scoped3A, %dma_wait3A_39] : memref<79x2x128xi32, #tpu.memory_space<vmem>> -> memref<1x1x128xi32, #tpu.memory_space<vmem>>
        %dma_wait3A_41 = tpu.memref_squeeze %dma_wait3A_40 : memref<1x1x128xi32, #tpu.memory_space<vmem>> -> memref<128xi32, #tpu.memory_space<vmem>>
        %dma_wait3A_42 = arith.constant 0 : i32
        %dma_wait3A_43 = arith.constant 0 : i32
        %dma_wait3A_44 = tpu.memref_slice %arg8[%dma_wait3A_42, %dma_wait3A_43] : memref<10016x256xbf16, #tpu.memory_space<vmem_shared>> -> memref<10016x256xbf16, #tpu.memory_space<vmem_shared>>
        tpu.wait_indirect_dma semaphore(%run_scoped3A_32 : memref<!tpu.dma_semaphore, #tpu.memory_space<semaphore_mem>>) src(%arg7 : memref<128x256xbf16, #tpu.memory_space<vmem>>) dst(%dma_wait3A_44 : memref<10016x256xbf16, #tpu.memory_space<vmem_shared>>)
        tpu.yield
      }) : () -> ()
    }
    %scan3A_13 = arith.constant 79 : i32
    %barrier3A_14 = arith.constant 0 : index
    tpu.barrier barrier_id(%barrier3A_14)
    %mul3A_15 = arith.constant 624 : i32
    %mul3A_16 = arith.muli %arg1, %mul3A_15 : i32
    %mul3A_17 = arith.constant 624 : i32
    %mul3A_18 = arith.muli %arg1, %mul3A_17 : i32
    "tpu.region"() ({
      %run_scoped3A = tpu.sem_alloc : memref<!tpu.dma_semaphore, #tpu.memory_space<semaphore_mem>>
      %dma_start3A = arith.constant 0 : i32
      %dma_start3A_19 = tpu.memref_slice %arg5[%arg0, %mul3A_18, %dma_start3A] : memref<2x10000x256xbf16, #tpu.memory_space<hbm>> -> memref<1x640x256xbf16, #tpu.memory_space<hbm>>
      %dma_start3A_20 = tpu.memref_squeeze %dma_start3A_19 : memref<1x640x256xbf16, #tpu.memory_space<hbm>> -> memref<640x256xbf16, #tpu.memory_space<hbm>>
      %dma_start3A_21 = arith.constant 0 : i32
      %dma_start3A_22 = tpu.memref_slice %arg8[%mul3A_16, %dma_start3A_21] : memref<10016x256xbf16, #tpu.memory_space<vmem_shared>> -> memref<640x256xbf16, #tpu.memory_space<vmem_shared>>
      tpu.enqueue_dma source(%dma_start3A_22 : memref<640x256xbf16, #tpu.memory_space<vmem_shared>>) target(%dma_start3A_20 : memref<640x256xbf16, #tpu.memory_space<hbm>>) target_semaphore(%run_scoped3A : memref<!tpu.dma_semaphore, #tpu.memory_space<semaphore_mem>>)
      %dma_wait3A = arith.constant 0 : i32
      %dma_wait3A_23 = tpu.memref_slice %arg5[%arg0, %mul3A_18, %dma_wait3A] : memref<2x10000x256xbf16, #tpu.memory_space<hbm>> -> memref<1x640x256xbf16, #tpu.memory_space<hbm>>
      %dma_wait3A_24 = tpu.memref_squeeze %dma_wait3A_23 : memref<1x640x256xbf16, #tpu.memory_space<hbm>> -> memref<640x256xbf16, #tpu.memory_space<hbm>>
      %dma_wait3A_25 = arith.constant 0 : i32
      %dma_wait3A_26 = tpu.memref_slice %arg8[%mul3A_16, %dma_wait3A_25] : memref<10016x256xbf16, #tpu.memory_space<vmem_shared>> -> memref<640x256xbf16, #tpu.memory_space<vmem_shared>>
      tpu.wait_dma2 semaphore(%run_scoped3A : memref<!tpu.dma_semaphore, #tpu.memory_space<semaphore_mem>>) src(%dma_wait3A_26 : memref<640x256xbf16, #tpu.memory_space<vmem_shared>>) dst(%dma_wait3A_24 : memref<640x256xbf16, #tpu.memory_space<hbm>>)
      tpu.yield
    }) : () -> ()
    return
  }
}

#map = affine_map<(d0, d1) -> (0, 0)>
#map1 = affine_map<(d0, d1) -> (0, 0, 0)>
module attributes {stable_mosaic.version = 14 : i64} {
  func.func @_sc_prop_body(%arg0: i32, %arg1: i32, %arg2: memref<10000x256xbf16, #tpu.memory_space<hbm>>, %arg3: memref<10000x256xbf16, #tpu.memory_space<hbm>>, %arg4: memref<2528x2x128xi32, #tpu.memory_space<hbm>>, %arg5: memref<2x10000x256xbf16, #tpu.memory_space<hbm>>, %arg6: memref<79x2x128xi32, #tpu.memory_space<vmem>>, %arg7: memref<128x256xbf16, #tpu.memory_space<vmem>>, %arg8: memref<10016x256xbf16, #tpu.memory_space<vmem_shared>>, %arg9: memref<!tpu.dma_semaphore, #tpu.memory_space<semaphore_mem>>) attributes {dimension_semantics = [#tpu.dimension_semantics<core_parallel>, #tpu.dimension_semantics<subcore_parallel>], iteration_bounds = array<i64: 2, 16>, scalar_prefetch = 0 : i64, scratch_operands = 4 : i64, tpu.core_type = #tpu.core_type<sc_vector_subcore>, window_params = [{transform_indices = #map}, {transform_indices = #map}, {transform_indices = #map1}, {transform_indices = #map1}]} {
    %mul3A = arith.constant 16 : i32
    %mul3A_0 = arith.muli %arg0, %mul3A : i32
    %add3A = arith.addi %mul3A_0, %arg1 : i32
    %mul3A_1 = arith.constant 79 : i32
    %mul3A_2 = arith.muli %add3A, %mul3A_1 : i32
    "tpu.region"() ({
      %run_scoped3A = tpu.sem_alloc : memref<!tpu.dma_semaphore, #tpu.memory_space<semaphore_mem>>
      %dma_start3A = arith.constant 0 : i32
      %dma_start3A_19 = arith.constant 0 : i32
      %dma_start3A_20 = tpu.memref_slice %arg4[%mul3A_2, %dma_start3A, %dma_start3A_19] : memref<2528x2x128xi32, #tpu.memory_space<hbm>> -> memref<79x2x128xi32, #tpu.memory_space<hbm>>
      %dma_start3A_21 = arith.constant 0 : i32
      %dma_start3A_22 = arith.constant 0 : i32
      %dma_start3A_23 = tpu.memref_slice %arg4[%mul3A_2, %dma_start3A_21, %dma_start3A_22] : memref<2528x2x128xi32, #tpu.memory_space<hbm>> -> memref<79x2x128xi32, #tpu.memory_space<hbm>>
      tpu.enqueue_dma source(%dma_start3A_23 : memref<79x2x128xi32, #tpu.memory_space<hbm>>) target(%arg6 : memref<79x2x128xi32, #tpu.memory_space<vmem>>) target_semaphore(%run_scoped3A : memref<!tpu.dma_semaphore, #tpu.memory_space<semaphore_mem>>)
      %dma_wait3A = arith.constant 0 : i32
      %dma_wait3A_24 = arith.constant 0 : i32
      %dma_wait3A_25 = tpu.memref_slice %arg4[%mul3A_2, %dma_wait3A, %dma_wait3A_24] : memref<2528x2x128xi32, #tpu.memory_space<hbm>> -> memref<79x2x128xi32, #tpu.memory_space<hbm>>
      %dma_wait3A_26 = arith.constant 0 : i32
      %dma_wait3A_27 = arith.constant 0 : i32
      %dma_wait3A_28 = tpu.memref_slice %arg4[%mul3A_2, %dma_wait3A_26, %dma_wait3A_27] : memref<2528x2x128xi32, #tpu.memory_space<hbm>> -> memref<79x2x128xi32, #tpu.memory_space<hbm>>
      tpu.wait_dma2 semaphore(%run_scoped3A : memref<!tpu.dma_semaphore, #tpu.memory_space<semaphore_mem>>) src(%dma_wait3A_28 : memref<79x2x128xi32, #tpu.memory_space<hbm>>) dst(%arg6 : memref<79x2x128xi32, #tpu.memory_space<vmem>>)
      tpu.yield
    }) : () -> ()
    %eq3A = arith.constant 0 : i32
    %eq3A_3 = arith.cmpi eq, %arg0, %eq3A : i32
    %convert_element_type3A = arith.extui %eq3A_3 : i1 to i32
    %cond3A = arith.constant 0 : i32
    %cond3A_4 = arith.cmpi ne, %convert_element_type3A, %cond3A : i32
    scf.if %cond3A_4 {
      %mul3A_19 = arith.constant 624 : i32
      %mul3A_20 = arith.muli %arg1, %mul3A_19 : i32
      %mul3A_21 = arith.constant 624 : i32
      %mul3A_22 = arith.muli %arg1, %mul3A_21 : i32
      "tpu.region"() ({
        %run_scoped3A = tpu.sem_alloc : memref<!tpu.dma_semaphore, #tpu.memory_space<semaphore_mem>>
        %dma_start3A = arith.constant 0 : i32
        %dma_start3A_23 = tpu.memref_slice %arg8[%mul3A_22, %dma_start3A] : memref<10016x256xbf16, #tpu.memory_space<vmem_shared>> -> memref<640x256xbf16, #tpu.memory_space<vmem_shared>>
        %dma_start3A_24 = arith.constant 0 : i32
        %dma_start3A_25 = tpu.memref_slice %arg2[%mul3A_20, %dma_start3A_24] : memref<10000x256xbf16, #tpu.memory_space<hbm>> -> memref<640x256xbf16, #tpu.memory_space<hbm>>
        tpu.enqueue_dma source(%dma_start3A_25 : memref<640x256xbf16, #tpu.memory_space<hbm>>) target(%dma_start3A_23 : memref<640x256xbf16, #tpu.memory_space<vmem_shared>>) target_semaphore(%run_scoped3A : memref<!tpu.dma_semaphore, #tpu.memory_space<semaphore_mem>>)
        %dma_wait3A = arith.constant 0 : i32
        %dma_wait3A_26 = tpu.memref_slice %arg8[%mul3A_22, %dma_wait3A] : memref<10016x256xbf16, #tpu.memory_space<vmem_shared>> -> memref<640x256xbf16, #tpu.memory_space<vmem_shared>>
        %dma_wait3A_27 = arith.constant 0 : i32
        %dma_wait3A_28 = tpu.memref_slice %arg2[%mul3A_20, %dma_wait3A_27] : memref<10000x256xbf16, #tpu.memory_space<hbm>> -> memref<640x256xbf16, #tpu.memory_space<hbm>>
        tpu.wait_dma2 semaphore(%run_scoped3A : memref<!tpu.dma_semaphore, #tpu.memory_space<semaphore_mem>>) src(%dma_wait3A_28 : memref<640x256xbf16, #tpu.memory_space<hbm>>) dst(%dma_wait3A_26 : memref<640x256xbf16, #tpu.memory_space<vmem_shared>>)
        tpu.yield
      }) : () -> ()
    } else {
    }
    %ne3A = arith.constant 0 : i32
    %ne3A_5 = arith.cmpi ne, %arg0, %ne3A : i32
    %convert_element_type3A_6 = arith.extui %ne3A_5 : i1 to i32
    %cond3A_7 = arith.constant 0 : i32
    %cond3A_8 = arith.cmpi ne, %convert_element_type3A_6, %cond3A_7 : i32
    scf.if %cond3A_8 {
      %mul3A_19 = arith.constant 624 : i32
      %mul3A_20 = arith.muli %arg1, %mul3A_19 : i32
      %mul3A_21 = arith.constant 624 : i32
      %mul3A_22 = arith.muli %arg1, %mul3A_21 : i32
      "tpu.region"() ({
        %run_scoped3A = tpu.sem_alloc : memref<!tpu.dma_semaphore, #tpu.memory_space<semaphore_mem>>
        %dma_start3A = arith.constant 0 : i32
        %dma_start3A_23 = tpu.memref_slice %arg8[%mul3A_22, %dma_start3A] : memref<10016x256xbf16, #tpu.memory_space<vmem_shared>> -> memref<640x256xbf16, #tpu.memory_space<vmem_shared>>
        %dma_start3A_24 = arith.constant 0 : i32
        %dma_start3A_25 = tpu.memref_slice %arg3[%mul3A_20, %dma_start3A_24] : memref<10000x256xbf16, #tpu.memory_space<hbm>> -> memref<640x256xbf16, #tpu.memory_space<hbm>>
        tpu.enqueue_dma source(%dma_start3A_25 : memref<640x256xbf16, #tpu.memory_space<hbm>>) target(%dma_start3A_23 : memref<640x256xbf16, #tpu.memory_space<vmem_shared>>) target_semaphore(%run_scoped3A : memref<!tpu.dma_semaphore, #tpu.memory_space<semaphore_mem>>)
        %dma_wait3A = arith.constant 0 : i32
        %dma_wait3A_26 = tpu.memref_slice %arg8[%mul3A_22, %dma_wait3A] : memref<10016x256xbf16, #tpu.memory_space<vmem_shared>> -> memref<640x256xbf16, #tpu.memory_space<vmem_shared>>
        %dma_wait3A_27 = arith.constant 0 : i32
        %dma_wait3A_28 = tpu.memref_slice %arg3[%mul3A_20, %dma_wait3A_27] : memref<10000x256xbf16, #tpu.memory_space<hbm>> -> memref<640x256xbf16, #tpu.memory_space<hbm>>
        tpu.wait_dma2 semaphore(%run_scoped3A : memref<!tpu.dma_semaphore, #tpu.memory_space<semaphore_mem>>) src(%dma_wait3A_28 : memref<640x256xbf16, #tpu.memory_space<hbm>>) dst(%dma_wait3A_26 : memref<640x256xbf16, #tpu.memory_space<vmem_shared>>)
        tpu.yield
      }) : () -> ()
    } else {
    }
    %barrier3A = arith.constant 0 : index
    tpu.barrier barrier_id(%barrier3A)
    %scan3A = arith.constant 0 : i32
    %scan3A_9 = arith.constant 0 : i32
    %scan3A_10 = arith.constant 79 : i32
    %scan3A_11 = arith.addi %scan3A_9, %scan3A_10 : i32
    %scan3A_12 = arith.constant 1 : i32
    scf.for %scan3A_19 = %scan3A_9 to %scan3A_11 step %scan3A_12  : i32 {
      %dma_start3A = arith.constant 0 : i32
      %dma_start3A_20 = arith.constant 0 : i32
      %dma_start3A_21 = tpu.memref_slice %arg6[%scan3A_19, %dma_start3A, %dma_start3A_20] : memref<79x2x128xi32, #tpu.memory_space<vmem>> -> memref<1x1x128xi32, #tpu.memory_space<vmem>>
      %dma_start3A_22 = tpu.memref_squeeze %dma_start3A_21 : memref<1x1x128xi32, #tpu.memory_space<vmem>> -> memref<128xi32, #tpu.memory_space<vmem>>
      %dma_start3A_23 = arith.constant 0 : i32
      %dma_start3A_24 = arith.constant 0 : i32
      %dma_start3A_25 = tpu.memref_slice %arg2[%dma_start3A_23, %dma_start3A_24] : memref<10000x256xbf16, #tpu.memory_space<hbm>> -> memref<10000x256xbf16, #tpu.memory_space<hbm>>
      tpu.enqueue_indirect_dma source(%dma_start3A_25 : memref<10000x256xbf16, #tpu.memory_space<hbm>>) target(%arg7 : memref<128x256xbf16, #tpu.memory_space<vmem>>) offsets(%dma_start3A_22 : memref<128xi32, #tpu.memory_space<vmem>>) semaphore(%arg9 : memref<!tpu.dma_semaphore, #tpu.memory_space<semaphore_mem>>)
      %dma_wait3A = arith.constant 0 : i32
      %dma_wait3A_26 = arith.constant 0 : i32
      %dma_wait3A_27 = tpu.memref_slice %arg6[%scan3A_19, %dma_wait3A, %dma_wait3A_26] : memref<79x2x128xi32, #tpu.memory_space<vmem>> -> memref<1x1x128xi32, #tpu.memory_space<vmem>>
      %dma_wait3A_28 = tpu.memref_squeeze %dma_wait3A_27 : memref<1x1x128xi32, #tpu.memory_space<vmem>> -> memref<128xi32, #tpu.memory_space<vmem>>
      %dma_wait3A_29 = arith.constant 0 : i32
      %dma_wait3A_30 = arith.constant 0 : i32
      %dma_wait3A_31 = tpu.memref_slice %arg2[%dma_wait3A_29, %dma_wait3A_30] : memref<10000x256xbf16, #tpu.memory_space<hbm>> -> memref<10000x256xbf16, #tpu.memory_space<hbm>>
      tpu.wait_indirect_dma semaphore(%arg9 : memref<!tpu.dma_semaphore, #tpu.memory_space<semaphore_mem>>) src(%dma_wait3A_31 : memref<10000x256xbf16, #tpu.memory_space<hbm>>) dst(%arg7 : memref<128x256xbf16, #tpu.memory_space<vmem>>)
      %run_scoped3A = arith.constant 1 : i32
      "tpu.region"() ({
        %run_scoped3A_32 = tpu.sem_alloc : memref<!tpu.dma_semaphore, #tpu.memory_space<semaphore_mem>>
        %dma_start3A_33 = arith.constant 0 : i32
        %dma_start3A_34 = tpu.memref_slice %arg6[%scan3A_19, %run_scoped3A, %dma_start3A_33] : memref<79x2x128xi32, #tpu.memory_space<vmem>> -> memref<1x1x128xi32, #tpu.memory_space<vmem>>
        %dma_start3A_35 = tpu.memref_squeeze %dma_start3A_34 : memref<1x1x128xi32, #tpu.memory_space<vmem>> -> memref<128xi32, #tpu.memory_space<vmem>>
        %dma_start3A_36 = arith.constant 0 : i32
        %dma_start3A_37 = arith.constant 0 : i32
        %dma_start3A_38 = tpu.memref_slice %arg8[%dma_start3A_36, %dma_start3A_37] : memref<10016x256xbf16, #tpu.memory_space<vmem_shared>> -> memref<10016x256xbf16, #tpu.memory_space<vmem_shared>>
        tpu.enqueue_indirect_dma source(%arg7 : memref<128x256xbf16, #tpu.memory_space<vmem>>) target(%dma_start3A_38 : memref<10016x256xbf16, #tpu.memory_space<vmem_shared>>) offsets(%dma_start3A_35 : memref<128xi32, #tpu.memory_space<vmem>>) semaphore(%run_scoped3A_32 : memref<!tpu.dma_semaphore, #tpu.memory_space<semaphore_mem>>) {add = true}
        %dma_wait3A_39 = arith.constant 0 : i32
        %dma_wait3A_40 = tpu.memref_slice %arg6[%scan3A_19, %run_scoped3A, %dma_wait3A_39] : memref<79x2x128xi32, #tpu.memory_space<vmem>> -> memref<1x1x128xi32, #tpu.memory_space<vmem>>
        %dma_wait3A_41 = tpu.memref_squeeze %dma_wait3A_40 : memref<1x1x128xi32, #tpu.memory_space<vmem>> -> memref<128xi32, #tpu.memory_space<vmem>>
        %dma_wait3A_42 = arith.constant 0 : i32
        %dma_wait3A_43 = arith.constant 0 : i32
        %dma_wait3A_44 = tpu.memref_slice %arg8[%dma_wait3A_42, %dma_wait3A_43] : memref<10016x256xbf16, #tpu.memory_space<vmem_shared>> -> memref<10016x256xbf16, #tpu.memory_space<vmem_shared>>
        tpu.wait_indirect_dma semaphore(%run_scoped3A_32 : memref<!tpu.dma_semaphore, #tpu.memory_space<semaphore_mem>>) src(%arg7 : memref<128x256xbf16, #tpu.memory_space<vmem>>) dst(%dma_wait3A_44 : memref<10016x256xbf16, #tpu.memory_space<vmem_shared>>)
        tpu.yield
      }) : () -> ()
    }
    %scan3A_13 = arith.constant 79 : i32
    %barrier3A_14 = arith.constant 0 : index
    tpu.barrier barrier_id(%barrier3A_14)
    %mul3A_15 = arith.constant 624 : i32
    %mul3A_16 = arith.muli %arg1, %mul3A_15 : i32
    %mul3A_17 = arith.constant 624 : i32
    %mul3A_18 = arith.muli %arg1, %mul3A_17 : i32
    "tpu.region"() ({
      %run_scoped3A = tpu.sem_alloc : memref<!tpu.dma_semaphore, #tpu.memory_space<semaphore_mem>>
      %dma_start3A = arith.constant 0 : i32
      %dma_start3A_19 = tpu.memref_slice %arg5[%arg0, %mul3A_18, %dma_start3A] : memref<2x10000x256xbf16, #tpu.memory_space<hbm>> -> memref<1x640x256xbf16, #tpu.memory_space<hbm>>
      %dma_start3A_20 = tpu.memref_squeeze %dma_start3A_19 : memref<1x640x256xbf16, #tpu.memory_space<hbm>> -> memref<640x256xbf16, #tpu.memory_space<hbm>>
      %dma_start3A_21 = arith.constant 0 : i32
      %dma_start3A_22 = tpu.memref_slice %arg8[%mul3A_16, %dma_start3A_21] : memref<10016x256xbf16, #tpu.memory_space<vmem_shared>> -> memref<640x256xbf16, #tpu.memory_space<vmem_shared>>
      tpu.enqueue_dma source(%dma_start3A_22 : memref<640x256xbf16, #tpu.memory_space<vmem_shared>>) target(%dma_start3A_20 : memref<640x256xbf16, #tpu.memory_space<hbm>>) target_semaphore(%run_scoped3A : memref<!tpu.dma_semaphore, #tpu.memory_space<semaphore_mem>>)
      %dma_wait3A = arith.constant 0 : i32
      %dma_wait3A_23 = tpu.memref_slice %arg5[%arg0, %mul3A_18, %dma_wait3A] : memref<2x10000x256xbf16, #tpu.memory_space<hbm>> -> memref<1x640x256xbf16, #tpu.memory_space<hbm>>
      %dma_wait3A_24 = tpu.memref_squeeze %dma_wait3A_23 : memref<1x640x256xbf16, #tpu.memory_space<hbm>> -> memref<640x256xbf16, #tpu.memory_space<hbm>>
      %dma_wait3A_25 = arith.constant 0 : i32
      %dma_wait3A_26 = tpu.memref_slice %arg8[%mul3A_16, %dma_wait3A_25] : memref<10016x256xbf16, #tpu.memory_space<vmem_shared>> -> memref<640x256xbf16, #tpu.memory_space<vmem_shared>>
      tpu.wait_dma2 semaphore(%run_scoped3A : memref<!tpu.dma_semaphore, #tpu.memory_space<semaphore_mem>>) src(%dma_wait3A_26 : memref<640x256xbf16, #tpu.memory_space<vmem_shared>>) dst(%dma_wait3A_24 : memref<640x256xbf16, #tpu.memory_space<hbm>>)
      tpu.yield
    }) : () -> ()
    return
  }
}

module attributes {stable_mosaic.version = 14 : i64} {
  func.func @_tc1_body(%arg0: i32, %arg1: memref<2000x128xf32, #tpu.memory_space<vmem>>, %arg2: memref<128x256xf32, #tpu.memory_space<vmem>>, %arg3: memref<1x256xf32, #tpu.memory_space<vmem>>, %arg4: memref<2x2000x16xf32, #tpu.memory_space<vmem>>, %arg5: memref<2000x256xf32, #tpu.memory_space<vmem>>, %arg6: memref<2000x256xbf16, #tpu.memory_space<vmem>>, %arg7: memref<2000x1xf32, #tpu.memory_space<vmem>>) attributes {dimension_semantics = [#tpu.dimension_semantics<arbitrary>], iteration_bounds = array<i64: 5>, scalar_prefetch = 0 : i64, scratch_operands = 0 : i64, tpu.core_type = #tpu.core_type<tc>, window_params = [{transform_indices = @transform_0, window_bounds = array<i64: 2000, 128>}, {pipeline_mode = #tpu.pipeline_mode<synchronous>, transform_indices = @transform_1, window_bounds = array<i64: 128, 256>}, {pipeline_mode = #tpu.pipeline_mode<synchronous>, transform_indices = @transform_2, window_bounds = array<i64: 1, 256>}, {transform_indices = @transform_3, window_bounds = array<i64: 2, 2000, 16>}, {transform_indices = @transform_4, window_bounds = array<i64: 2000, 256>}, {transform_indices = @transform_5, window_bounds = array<i64: 2000, 256>}, {transform_indices = @transform_6, window_bounds = array<i64: 2000, 1>}]} {
    %get3A = arith.constant 0 : index
    %get3A_0 = arith.constant 0 : index
    %get3A_1 = arith.constant 0 : index
    %get3A_2 = vector.load %arg4[%get3A, %get3A_0, %get3A_1] : memref<2x2000x16xf32, #tpu.memory_space<vmem>>, vector<2x2000x16xf32>
    %slice3A = vector.extract_strided_slice %get3A_2 {offsets = [0, 0, 0], sizes = [1, 2000, 16], strides = [1, 1, 1]} : vector<2x2000x16xf32> to vector<1x2000x16xf32>
    %squeeze3A = vector.shape_cast %slice3A : vector<1x2000x16xf32> to vector<2000x16xf32>
    %slice3A_3 = vector.extract_strided_slice %squeeze3A {offsets = [0, 0], sizes = [2000, 1], strides = [1, 1]} : vector<2000x16xf32> to vector<2000x1xf32>
    %slice3A_4 = vector.extract_strided_slice %get3A_2 {offsets = [1, 0, 0], sizes = [1, 2000, 16], strides = [1, 1, 1]} : vector<2x2000x16xf32> to vector<1x2000x16xf32>
    %squeeze3A_5 = vector.shape_cast %slice3A_4 : vector<1x2000x16xf32> to vector<2000x16xf32>
    %slice3A_6 = vector.extract_strided_slice %squeeze3A_5 {offsets = [0, 0], sizes = [2000, 1], strides = [1, 1]} : vector<2000x16xf32> to vector<2000x1xf32>
    %add3A = arith.addf %slice3A_3, %slice3A_6 : vector<2000x1xf32>
    %add3A_7 = arith.constant 1.000000e+00 : f32
    %add3A_8 = vector.broadcast %add3A_7 : f32 to vector<2000x1xf32>
    %add3A_9 = arith.addf %add3A, %add3A_8 : vector<2000x1xf32>
    %rsqrt3A = math.rsqrt %add3A_9 : vector<2000x1xf32>
    %get3A_10 = arith.constant 0 : index
    %get3A_11 = arith.constant 0 : index
    %get3A_12 = vector.load %arg1[%get3A_10, %get3A_11] : memref<2000x128xf32, #tpu.memory_space<vmem>>, vector<2000x128xf32>
    %get3A_13 = arith.constant 0 : index
    %get3A_14 = arith.constant 0 : index
    %get3A_15 = vector.load %arg2[%get3A_13, %get3A_14] : memref<128x256xf32, #tpu.memory_space<vmem>>, vector<128x256xf32>
    %dot_general3A = arith.constant dense<0.000000e+00> : vector<2000x256xf32>
    %dot_general3A_16 = tpu.matmul %get3A_12, %get3A_15, %dot_general3A {dimension_numbers = #tpu.dot_dimension_numbers<[1], [0], [0], [1], [0, 0, 1, 1], [], []>, transpose_lhs_hint = false} : vector<2000x128xf32>, vector<128x256xf32>, vector<2000x256xf32> -> vector<2000x256xf32>
    %get3A_17 = arith.constant 0 : index
    %get3A_18 = arith.constant 0 : index
    %get3A_19 = vector.load %arg3[%get3A_17, %get3A_18] : memref<1x256xf32, #tpu.memory_space<vmem>>, vector<1x256xf32>
    %add3A_20 = vector.broadcast %get3A_19 : vector<1x256xf32> to vector<2000x256xf32>
    %add3A_21 = arith.addf %dot_general3A_16, %add3A_20 : vector<2000x256xf32>
    %max3A = arith.constant 0.000000e+00 : f32
    %max3A_22 = vector.broadcast %max3A : f32 to vector<2000x256xf32>
    %max3A_23 = arith.maximumf %add3A_21, %max3A_22 : vector<2000x256xf32>
    %swap3A = arith.constant 0 : index
    %swap3A_24 = arith.constant 0 : index
    %swap3A_25 = vector.load %arg5[%swap3A, %swap3A_24] : memref<2000x256xf32, #tpu.memory_space<vmem>>, vector<2000x256xf32>
    tpu.vector_store %arg5[%swap3A, %swap3A_24], %max3A_23 {strides = array<i32>} : memref<2000x256xf32, #tpu.memory_space<vmem>>, vector<2000x256xf32>,
    %swap3A_26 = arith.constant 0 : index
    %swap3A_27 = arith.constant 0 : index
    %swap3A_28 = vector.load %arg7[%swap3A_26, %swap3A_27] : memref<2000x1xf32, #tpu.memory_space<vmem>>, vector<2000x1xf32>
    tpu.vector_store %arg7[%swap3A_26, %swap3A_27], %rsqrt3A {strides = array<i32>} : memref<2000x1xf32, #tpu.memory_space<vmem>>, vector<2000x1xf32>,
    %mul3A = vector.broadcast %rsqrt3A : vector<2000x1xf32> to vector<2000x256xf32>
    %mul3A_29 = arith.mulf %max3A_23, %mul3A : vector<2000x256xf32>
    %convert_element_type3A = arith.truncf %mul3A_29 : vector<2000x256xf32> to vector<2000x256xbf16>
    %swap3A_30 = arith.constant 0 : index
    %swap3A_31 = arith.constant 0 : index
    %swap3A_32 = vector.load %arg6[%swap3A_30, %swap3A_31] : memref<2000x256xbf16, #tpu.memory_space<vmem>>, vector<2000x256xbf16>
    tpu.vector_store %arg6[%swap3A_30, %swap3A_31], %convert_element_type3A {strides = array<i32>} : memref<2000x256xbf16, #tpu.memory_space<vmem>>, vector<2000x256xbf16>,
    return
  }
  func.func @transform_0(%arg0: i32) -> (i32, i32) {
    %c0_i32 = arith.constant 0 : i32
    %c0_i32_0 = arith.constant 0 : i32
    return %arg0, %c0_i32 : i32, i32
  }
  func.func @transform_1(%arg0: i32) -> (i32, i32) {
    %c0_i32 = arith.constant 0 : i32
    %c0_i32_0 = arith.constant 0 : i32
    %c0_i32_1 = arith.constant 0 : i32
    return %c0_i32, %c0_i32_0 : i32, i32
  }
  func.func @transform_2(%arg0: i32) -> (i32, i32) {
    %c0_i32 = arith.constant 0 : i32
    %c0_i32_0 = arith.constant 0 : i32
    %c0_i32_1 = arith.constant 0 : i32
    return %c0_i32, %c0_i32_0 : i32, i32
  }
  func.func @transform_3(%arg0: i32) -> (i32, i32, i32) {
    %c0_i32 = arith.constant 0 : i32
    %c0_i32_0 = arith.constant 0 : i32
    %c0_i32_1 = arith.constant 0 : i32
    return %c0_i32, %arg0, %c0_i32_0 : i32, i32, i32
  }
  func.func @transform_4(%arg0: i32) -> (i32, i32) {
    %c0_i32 = arith.constant 0 : i32
    %c0_i32_0 = arith.constant 0 : i32
    return %arg0, %c0_i32 : i32, i32
  }
  func.func @transform_5(%arg0: i32) -> (i32, i32) {
    %c0_i32 = arith.constant 0 : i32
    %c0_i32_0 = arith.constant 0 : i32
    return %arg0, %c0_i32 : i32, i32
  }
  func.func @transform_6(%arg0: i32) -> (i32, i32) {
    %c0_i32 = arith.constant 0 : i32
    %c0_i32_0 = arith.constant 0 : i32
    return %arg0, %c0_i32 : i32, i32
  }
}

module attributes {stable_mosaic.version = 14 : i64} {
  func.func @_tc_layer_body(%arg0: i32, %arg1: memref<2x2000x256xbf16, #tpu.memory_space<vmem>>, %arg2: memref<2000x256xf32, #tpu.memory_space<vmem>>, %arg3: memref<2000x1xf32, #tpu.memory_space<vmem>>, %arg4: memref<256x256xf32, #tpu.memory_space<vmem>>, %arg5: memref<1x256xf32, #tpu.memory_space<vmem>>, %arg6: memref<1x256xf32, #tpu.memory_space<vmem>>, %arg7: memref<1x256xf32, #tpu.memory_space<vmem>>, %arg8: memref<1x256xf32, #tpu.memory_space<vmem>>, %arg9: memref<2000x256xbf16, #tpu.memory_space<vmem>>) attributes {dimension_semantics = [#tpu.dimension_semantics<arbitrary>], iteration_bounds = array<i64: 5>, scalar_prefetch = 0 : i64, scratch_operands = 0 : i64, tpu.core_type = #tpu.core_type<tc>, window_params = [{transform_indices = @transform_0, window_bounds = array<i64: 2, 2000, 256>}, {transform_indices = @transform_1, window_bounds = array<i64: 2000, 256>}, {transform_indices = @transform_2, window_bounds = array<i64: 2000, 1>}, {pipeline_mode = #tpu.pipeline_mode<synchronous>, transform_indices = @transform_3, window_bounds = array<i64: 256, 256>}, {pipeline_mode = #tpu.pipeline_mode<synchronous>, transform_indices = @transform_4, window_bounds = array<i64: 1, 256>}, {pipeline_mode = #tpu.pipeline_mode<synchronous>, transform_indices = @transform_5, window_bounds = array<i64: 1, 256>}, {pipeline_mode = #tpu.pipeline_mode<synchronous>, transform_indices = @transform_6, window_bounds = array<i64: 1, 256>}, {pipeline_mode = #tpu.pipeline_mode<synchronous>, transform_indices = @transform_7, window_bounds = array<i64: 1, 256>}, {transform_indices = @transform_8, window_bounds = array<i64: 2000, 256>}]} {
    %get3A = arith.constant 0 : index
    %get3A_0 = arith.constant 0 : index
    %get3A_1 = vector.load %arg3[%get3A, %get3A_0] : memref<2000x1xf32, #tpu.memory_space<vmem>>, vector<2000x1xf32>
    %get3A_2 = arith.constant 0 : index
    %get3A_3 = arith.constant 0 : index
    %get3A_4 = arith.constant 0 : index
    %get3A_5 = vector.load %arg1[%get3A_2, %get3A_3, %get3A_4] : memref<2x2000x256xbf16, #tpu.memory_space<vmem>>, vector<2x2000x256xbf16>
    %slice3A = vector.extract_strided_slice %get3A_5 {offsets = [0, 0, 0], sizes = [1, 2000, 256], strides = [1, 1, 1]} : vector<2x2000x256xbf16> to vector<1x2000x256xbf16>
    %squeeze3A = vector.shape_cast %slice3A : vector<1x2000x256xbf16> to vector<2000x256xbf16>
    %convert_element_type3A = arith.extf %squeeze3A : vector<2000x256xbf16> to vector<2000x256xf32>
    %slice3A_6 = vector.extract_strided_slice %get3A_5 {offsets = [1, 0, 0], sizes = [1, 2000, 256], strides = [1, 1, 1]} : vector<2x2000x256xbf16> to vector<1x2000x256xbf16>
    %squeeze3A_7 = vector.shape_cast %slice3A_6 : vector<1x2000x256xbf16> to vector<2000x256xbf16>
    %convert_element_type3A_8 = arith.extf %squeeze3A_7 : vector<2000x256xbf16> to vector<2000x256xf32>
    %add3A = arith.addf %convert_element_type3A, %convert_element_type3A_8 : vector<2000x256xf32>
    %mul3A = vector.broadcast %get3A_1 : vector<2000x1xf32> to vector<2000x256xf32>
    %mul3A_9 = arith.mulf %add3A, %mul3A : vector<2000x256xf32>
    %mul3A_10 = arith.constant 0.899999976 : f32
    %mul3A_11 = vector.broadcast %mul3A_10 : f32 to vector<2000x256xf32>
    %mul3A_12 = arith.mulf %mul3A_11, %mul3A_9 : vector<2000x256xf32>
    %get3A_13 = arith.constant 0 : index
    %get3A_14 = arith.constant 0 : index
    %get3A_15 = vector.load %arg2[%get3A_13, %get3A_14] : memref<2000x256xf32, #tpu.memory_space<vmem>>, vector<2000x256xf32>
    %mul3A_16 = arith.constant 1.000000e-01 : f32
    %mul3A_17 = vector.broadcast %mul3A_16 : f32 to vector<2000x256xf32>
    %mul3A_18 = arith.mulf %mul3A_17, %get3A_15 : vector<2000x256xf32>
    %add3A_19 = arith.addf %mul3A_12, %mul3A_18 : vector<2000x256xf32>
    %mul3A_20 = arith.constant 0.594534874 : f32
    %mul3A_21 = vector.broadcast %mul3A_20 : f32 to vector<2000x256xf32>
    %mul3A_22 = arith.mulf %mul3A_21, %add3A_19 : vector<2000x256xf32>
    %get3A_23 = arith.constant 0 : index
    %get3A_24 = arith.constant 0 : index
    %get3A_25 = vector.load %arg4[%get3A_23, %get3A_24] : memref<256x256xf32, #tpu.memory_space<vmem>>, vector<256x256xf32>
    %dot_general3A = arith.constant dense<0.000000e+00> : vector<2000x256xf32>
    %dot_general3A_26 = tpu.matmul %add3A_19, %get3A_25, %dot_general3A {dimension_numbers = #tpu.dot_dimension_numbers<[1], [0], [0], [1], [0, 0, 1, 1], [], []>, transpose_lhs_hint = false} : vector<2000x256xf32>, vector<256x256xf32>, vector<2000x256xf32> -> vector<2000x256xf32>
    %mul3A_27 = arith.constant 0.405465096 : f32
    %mul3A_28 = vector.broadcast %mul3A_27 : f32 to vector<2000x256xf32>
    %mul3A_29 = arith.mulf %mul3A_28, %dot_general3A_26 : vector<2000x256xf32>
    %add3A_30 = arith.addf %mul3A_22, %mul3A_29 : vector<2000x256xf32>
    %get3A_31 = arith.constant 0 : index
    %get3A_32 = arith.constant 0 : index
    %get3A_33 = vector.load %arg5[%get3A_31, %get3A_32] : memref<1x256xf32, #tpu.memory_space<vmem>>, vector<1x256xf32>
    %get3A_34 = arith.constant 0 : index
    %get3A_35 = arith.constant 0 : index
    %get3A_36 = vector.load %arg8[%get3A_34, %get3A_35] : memref<1x256xf32, #tpu.memory_space<vmem>>, vector<1x256xf32>
    %add3A_37 = arith.constant 9.99999974E-6 : f32
    %add3A_38 = vector.broadcast %add3A_37 : f32 to vector<1x256xf32>
    %add3A_39 = arith.addf %get3A_36, %add3A_38 : vector<1x256xf32>
    %rsqrt3A = math.rsqrt %add3A_39 : vector<1x256xf32>
    %mul3A_40 = arith.mulf %get3A_33, %rsqrt3A : vector<1x256xf32>
    %get3A_41 = arith.constant 0 : index
    %get3A_42 = arith.constant 0 : index
    %get3A_43 = vector.load %arg7[%get3A_41, %get3A_42] : memref<1x256xf32, #tpu.memory_space<vmem>>, vector<1x256xf32>
    %sub3A = vector.broadcast %get3A_43 : vector<1x256xf32> to vector<2000x256xf32>
    %sub3A_44 = arith.subf %add3A_30, %sub3A : vector<2000x256xf32>
    %mul3A_45 = vector.broadcast %mul3A_40 : vector<1x256xf32> to vector<2000x256xf32>
    %mul3A_46 = arith.mulf %sub3A_44, %mul3A_45 : vector<2000x256xf32>
    %get3A_47 = arith.constant 0 : index
    %get3A_48 = arith.constant 0 : index
    %get3A_49 = vector.load %arg6[%get3A_47, %get3A_48] : memref<1x256xf32, #tpu.memory_space<vmem>>, vector<1x256xf32>
    %add3A_50 = vector.broadcast %get3A_49 : vector<1x256xf32> to vector<2000x256xf32>
    %add3A_51 = arith.addf %mul3A_46, %add3A_50 : vector<2000x256xf32>
    %max3A = arith.constant 0.000000e+00 : f32
    %max3A_52 = vector.broadcast %max3A : f32 to vector<2000x256xf32>
    %max3A_53 = arith.maximumf %add3A_51, %max3A_52 : vector<2000x256xf32>
    %mul3A_54 = vector.broadcast %get3A_1 : vector<2000x1xf32> to vector<2000x256xf32>
    %mul3A_55 = arith.mulf %max3A_53, %mul3A_54 : vector<2000x256xf32>
    %convert_element_type3A_56 = arith.truncf %mul3A_55 : vector<2000x256xf32> to vector<2000x256xbf16>
    %swap3A = arith.constant 0 : index
    %swap3A_57 = arith.constant 0 : index
    %swap3A_58 = vector.load %arg9[%swap3A, %swap3A_57] : memref<2000x256xbf16, #tpu.memory_space<vmem>>, vector<2000x256xbf16>
    tpu.vector_store %arg9[%swap3A, %swap3A_57], %convert_element_type3A_56 {strides = array<i32>} : memref<2000x256xbf16, #tpu.memory_space<vmem>>, vector<2000x256xbf16>,
    return
  }
  func.func @transform_0(%arg0: i32) -> (i32, i32, i32) {
    %c0_i32 = arith.constant 0 : i32
    %c0_i32_0 = arith.constant 0 : i32
    %c0_i32_1 = arith.constant 0 : i32
    return %c0_i32, %arg0, %c0_i32_0 : i32, i32, i32
  }
  func.func @transform_1(%arg0: i32) -> (i32, i32) {
    %c0_i32 = arith.constant 0 : i32
    %c0_i32_0 = arith.constant 0 : i32
    return %arg0, %c0_i32 : i32, i32
  }
  func.func @transform_2(%arg0: i32) -> (i32, i32) {
    %c0_i32 = arith.constant 0 : i32
    %c0_i32_0 = arith.constant 0 : i32
    return %arg0, %c0_i32 : i32, i32
  }
  func.func @transform_3(%arg0: i32) -> (i32, i32) {
    %c0_i32 = arith.constant 0 : i32
    %c0_i32_0 = arith.constant 0 : i32
    %c0_i32_1 = arith.constant 0 : i32
    return %c0_i32, %c0_i32_0 : i32, i32
  }
  func.func @transform_4(%arg0: i32) -> (i32, i32) {
    %c0_i32 = arith.constant 0 : i32
    %c0_i32_0 = arith.constant 0 : i32
    %c0_i32_1 = arith.constant 0 : i32
    return %c0_i32, %c0_i32_0 : i32, i32
  }
  func.func @transform_5(%arg0: i32) -> (i32, i32) {
    %c0_i32 = arith.constant 0 : i32
    %c0_i32_0 = arith.constant 0 : i32
    %c0_i32_1 = arith.constant 0 : i32
    return %c0_i32, %c0_i32_0 : i32, i32
  }
  func.func @transform_6(%arg0: i32) -> (i32, i32) {
    %c0_i32 = arith.constant 0 : i32
    %c0_i32_0 = arith.constant 0 : i32
    %c0_i32_1 = arith.constant 0 : i32
    return %c0_i32, %c0_i32_0 : i32, i32
  }
  func.func @transform_7(%arg0: i32) -> (i32, i32) {
    %c0_i32 = arith.constant 0 : i32
    %c0_i32_0 = arith.constant 0 : i32
    %c0_i32_1 = arith.constant 0 : i32
    return %c0_i32, %c0_i32_0 : i32, i32
  }
  func.func @transform_8(%arg0: i32) -> (i32, i32) {
    %c0_i32 = arith.constant 0 : i32
    %c0_i32_0 = arith.constant 0 : i32
    return %arg0, %c0_i32 : i32, i32
  }
}

module attributes {stable_mosaic.version = 14 : i64} {
  func.func @_tc_layer_body(%arg0: i32, %arg1: memref<2x2000x256xbf16, #tpu.memory_space<vmem>>, %arg2: memref<2000x256xf32, #tpu.memory_space<vmem>>, %arg3: memref<2000x1xf32, #tpu.memory_space<vmem>>, %arg4: memref<256x256xf32, #tpu.memory_space<vmem>>, %arg5: memref<1x256xf32, #tpu.memory_space<vmem>>, %arg6: memref<1x256xf32, #tpu.memory_space<vmem>>, %arg7: memref<1x256xf32, #tpu.memory_space<vmem>>, %arg8: memref<1x256xf32, #tpu.memory_space<vmem>>, %arg9: memref<2000x256xbf16, #tpu.memory_space<vmem>>) attributes {dimension_semantics = [#tpu.dimension_semantics<arbitrary>], iteration_bounds = array<i64: 5>, scalar_prefetch = 0 : i64, scratch_operands = 0 : i64, tpu.core_type = #tpu.core_type<tc>, window_params = [{transform_indices = @transform_0, window_bounds = array<i64: 2, 2000, 256>}, {transform_indices = @transform_1, window_bounds = array<i64: 2000, 256>}, {transform_indices = @transform_2, window_bounds = array<i64: 2000, 1>}, {pipeline_mode = #tpu.pipeline_mode<synchronous>, transform_indices = @transform_3, window_bounds = array<i64: 256, 256>}, {pipeline_mode = #tpu.pipeline_mode<synchronous>, transform_indices = @transform_4, window_bounds = array<i64: 1, 256>}, {pipeline_mode = #tpu.pipeline_mode<synchronous>, transform_indices = @transform_5, window_bounds = array<i64: 1, 256>}, {pipeline_mode = #tpu.pipeline_mode<synchronous>, transform_indices = @transform_6, window_bounds = array<i64: 1, 256>}, {pipeline_mode = #tpu.pipeline_mode<synchronous>, transform_indices = @transform_7, window_bounds = array<i64: 1, 256>}, {transform_indices = @transform_8, window_bounds = array<i64: 2000, 256>}]} {
    %get3A = arith.constant 0 : index
    %get3A_0 = arith.constant 0 : index
    %get3A_1 = vector.load %arg3[%get3A, %get3A_0] : memref<2000x1xf32, #tpu.memory_space<vmem>>, vector<2000x1xf32>
    %get3A_2 = arith.constant 0 : index
    %get3A_3 = arith.constant 0 : index
    %get3A_4 = arith.constant 0 : index
    %get3A_5 = vector.load %arg1[%get3A_2, %get3A_3, %get3A_4] : memref<2x2000x256xbf16, #tpu.memory_space<vmem>>, vector<2x2000x256xbf16>
    %slice3A = vector.extract_strided_slice %get3A_5 {offsets = [0, 0, 0], sizes = [1, 2000, 256], strides = [1, 1, 1]} : vector<2x2000x256xbf16> to vector<1x2000x256xbf16>
    %squeeze3A = vector.shape_cast %slice3A : vector<1x2000x256xbf16> to vector<2000x256xbf16>
    %convert_element_type3A = arith.extf %squeeze3A : vector<2000x256xbf16> to vector<2000x256xf32>
    %slice3A_6 = vector.extract_strided_slice %get3A_5 {offsets = [1, 0, 0], sizes = [1, 2000, 256], strides = [1, 1, 1]} : vector<2x2000x256xbf16> to vector<1x2000x256xbf16>
    %squeeze3A_7 = vector.shape_cast %slice3A_6 : vector<1x2000x256xbf16> to vector<2000x256xbf16>
    %convert_element_type3A_8 = arith.extf %squeeze3A_7 : vector<2000x256xbf16> to vector<2000x256xf32>
    %add3A = arith.addf %convert_element_type3A, %convert_element_type3A_8 : vector<2000x256xf32>
    %mul3A = vector.broadcast %get3A_1 : vector<2000x1xf32> to vector<2000x256xf32>
    %mul3A_9 = arith.mulf %add3A, %mul3A : vector<2000x256xf32>
    %mul3A_10 = arith.constant 0.899999976 : f32
    %mul3A_11 = vector.broadcast %mul3A_10 : f32 to vector<2000x256xf32>
    %mul3A_12 = arith.mulf %mul3A_11, %mul3A_9 : vector<2000x256xf32>
    %get3A_13 = arith.constant 0 : index
    %get3A_14 = arith.constant 0 : index
    %get3A_15 = vector.load %arg2[%get3A_13, %get3A_14] : memref<2000x256xf32, #tpu.memory_space<vmem>>, vector<2000x256xf32>
    %mul3A_16 = arith.constant 1.000000e-01 : f32
    %mul3A_17 = vector.broadcast %mul3A_16 : f32 to vector<2000x256xf32>
    %mul3A_18 = arith.mulf %mul3A_17, %get3A_15 : vector<2000x256xf32>
    %add3A_19 = arith.addf %mul3A_12, %mul3A_18 : vector<2000x256xf32>
    %mul3A_20 = arith.constant 0.776856422 : f32
    %mul3A_21 = vector.broadcast %mul3A_20 : f32 to vector<2000x256xf32>
    %mul3A_22 = arith.mulf %mul3A_21, %add3A_19 : vector<2000x256xf32>
    %get3A_23 = arith.constant 0 : index
    %get3A_24 = arith.constant 0 : index
    %get3A_25 = vector.load %arg4[%get3A_23, %get3A_24] : memref<256x256xf32, #tpu.memory_space<vmem>>, vector<256x256xf32>
    %dot_general3A = arith.constant dense<0.000000e+00> : vector<2000x256xf32>
    %dot_general3A_26 = tpu.matmul %add3A_19, %get3A_25, %dot_general3A {dimension_numbers = #tpu.dot_dimension_numbers<[1], [0], [0], [1], [0, 0, 1, 1], [], []>, transpose_lhs_hint = false} : vector<2000x256xf32>, vector<256x256xf32>, vector<2000x256xf32> -> vector<2000x256xf32>
    %mul3A_27 = arith.constant 0.223143548 : f32
    %mul3A_28 = vector.broadcast %mul3A_27 : f32 to vector<2000x256xf32>
    %mul3A_29 = arith.mulf %mul3A_28, %dot_general3A_26 : vector<2000x256xf32>
    %add3A_30 = arith.addf %mul3A_22, %mul3A_29 : vector<2000x256xf32>
    %get3A_31 = arith.constant 0 : index
    %get3A_32 = arith.constant 0 : index
    %get3A_33 = vector.load %arg5[%get3A_31, %get3A_32] : memref<1x256xf32, #tpu.memory_space<vmem>>, vector<1x256xf32>
    %get3A_34 = arith.constant 0 : index
    %get3A_35 = arith.constant 0 : index
    %get3A_36 = vector.load %arg8[%get3A_34, %get3A_35] : memref<1x256xf32, #tpu.memory_space<vmem>>, vector<1x256xf32>
    %add3A_37 = arith.constant 9.99999974E-6 : f32
    %add3A_38 = vector.broadcast %add3A_37 : f32 to vector<1x256xf32>
    %add3A_39 = arith.addf %get3A_36, %add3A_38 : vector<1x256xf32>
    %rsqrt3A = math.rsqrt %add3A_39 : vector<1x256xf32>
    %mul3A_40 = arith.mulf %get3A_33, %rsqrt3A : vector<1x256xf32>
    %get3A_41 = arith.constant 0 : index
    %get3A_42 = arith.constant 0 : index
    %get3A_43 = vector.load %arg7[%get3A_41, %get3A_42] : memref<1x256xf32, #tpu.memory_space<vmem>>, vector<1x256xf32>
    %sub3A = vector.broadcast %get3A_43 : vector<1x256xf32> to vector<2000x256xf32>
    %sub3A_44 = arith.subf %add3A_30, %sub3A : vector<2000x256xf32>
    %mul3A_45 = vector.broadcast %mul3A_40 : vector<1x256xf32> to vector<2000x256xf32>
    %mul3A_46 = arith.mulf %sub3A_44, %mul3A_45 : vector<2000x256xf32>
    %get3A_47 = arith.constant 0 : index
    %get3A_48 = arith.constant 0 : index
    %get3A_49 = vector.load %arg6[%get3A_47, %get3A_48] : memref<1x256xf32, #tpu.memory_space<vmem>>, vector<1x256xf32>
    %add3A_50 = vector.broadcast %get3A_49 : vector<1x256xf32> to vector<2000x256xf32>
    %add3A_51 = arith.addf %mul3A_46, %add3A_50 : vector<2000x256xf32>
    %max3A = arith.constant 0.000000e+00 : f32
    %max3A_52 = vector.broadcast %max3A : f32 to vector<2000x256xf32>
    %max3A_53 = arith.maximumf %add3A_51, %max3A_52 : vector<2000x256xf32>
    %mul3A_54 = vector.broadcast %get3A_1 : vector<2000x1xf32> to vector<2000x256xf32>
    %mul3A_55 = arith.mulf %max3A_53, %mul3A_54 : vector<2000x256xf32>
    %convert_element_type3A_56 = arith.truncf %mul3A_55 : vector<2000x256xf32> to vector<2000x256xbf16>
    %swap3A = arith.constant 0 : index
    %swap3A_57 = arith.constant 0 : index
    %swap3A_58 = vector.load %arg9[%swap3A, %swap3A_57] : memref<2000x256xbf16, #tpu.memory_space<vmem>>, vector<2000x256xbf16>
    tpu.vector_store %arg9[%swap3A, %swap3A_57], %convert_element_type3A_56 {strides = array<i32>} : memref<2000x256xbf16, #tpu.memory_space<vmem>>, vector<2000x256xbf16>,
    return
  }
  func.func @transform_0(%arg0: i32) -> (i32, i32, i32) {
    %c0_i32 = arith.constant 0 : i32
    %c0_i32_0 = arith.constant 0 : i32
    %c0_i32_1 = arith.constant 0 : i32
    return %c0_i32, %arg0, %c0_i32_0 : i32, i32, i32
  }
  func.func @transform_1(%arg0: i32) -> (i32, i32) {
    %c0_i32 = arith.constant 0 : i32
    %c0_i32_0 = arith.constant 0 : i32
    return %arg0, %c0_i32 : i32, i32
  }
  func.func @transform_2(%arg0: i32) -> (i32, i32) {
    %c0_i32 = arith.constant 0 : i32
    %c0_i32_0 = arith.constant 0 : i32
    return %arg0, %c0_i32 : i32, i32
  }
  func.func @transform_3(%arg0: i32) -> (i32, i32) {
    %c0_i32 = arith.constant 0 : i32
    %c0_i32_0 = arith.constant 0 : i32
    %c0_i32_1 = arith.constant 0 : i32
    return %c0_i32, %c0_i32_0 : i32, i32
  }
  func.func @transform_4(%arg0: i32) -> (i32, i32) {
    %c0_i32 = arith.constant 0 : i32
    %c0_i32_0 = arith.constant 0 : i32
    %c0_i32_1 = arith.constant 0 : i32
    return %c0_i32, %c0_i32_0 : i32, i32
  }
  func.func @transform_5(%arg0: i32) -> (i32, i32) {
    %c0_i32 = arith.constant 0 : i32
    %c0_i32_0 = arith.constant 0 : i32
    %c0_i32_1 = arith.constant 0 : i32
    return %c0_i32, %c0_i32_0 : i32, i32
  }
  func.func @transform_6(%arg0: i32) -> (i32, i32) {
    %c0_i32 = arith.constant 0 : i32
    %c0_i32_0 = arith.constant 0 : i32
    %c0_i32_1 = arith.constant 0 : i32
    return %c0_i32, %c0_i32_0 : i32, i32
  }
  func.func @transform_7(%arg0: i32) -> (i32, i32) {
    %c0_i32 = arith.constant 0 : i32
    %c0_i32_0 = arith.constant 0 : i32
    %c0_i32_1 = arith.constant 0 : i32
    return %c0_i32, %c0_i32_0 : i32, i32
  }
  func.func @transform_8(%arg0: i32) -> (i32, i32) {
    %c0_i32 = arith.constant 0 : i32
    %c0_i32_0 = arith.constant 0 : i32
    return %arg0, %c0_i32 : i32, i32
  }
}

module attributes {stable_mosaic.version = 14 : i64} {
  func.func @_tc_layer_body(%arg0: i32, %arg1: memref<2x2000x256xbf16, #tpu.memory_space<vmem>>, %arg2: memref<2000x256xf32, #tpu.memory_space<vmem>>, %arg3: memref<2000x1xf32, #tpu.memory_space<vmem>>, %arg4: memref<256x256xf32, #tpu.memory_space<vmem>>, %arg5: memref<1x256xf32, #tpu.memory_space<vmem>>, %arg6: memref<1x256xf32, #tpu.memory_space<vmem>>, %arg7: memref<1x256xf32, #tpu.memory_space<vmem>>, %arg8: memref<1x256xf32, #tpu.memory_space<vmem>>, %arg9: memref<2000x256xbf16, #tpu.memory_space<vmem>>) attributes {dimension_semantics = [#tpu.dimension_semantics<arbitrary>], iteration_bounds = array<i64: 5>, scalar_prefetch = 0 : i64, scratch_operands = 0 : i64, tpu.core_type = #tpu.core_type<tc>, window_params = [{transform_indices = @transform_0, window_bounds = array<i64: 2, 2000, 256>}, {transform_indices = @transform_1, window_bounds = array<i64: 2000, 256>}, {transform_indices = @transform_2, window_bounds = array<i64: 2000, 1>}, {pipeline_mode = #tpu.pipeline_mode<synchronous>, transform_indices = @transform_3, window_bounds = array<i64: 256, 256>}, {pipeline_mode = #tpu.pipeline_mode<synchronous>, transform_indices = @transform_4, window_bounds = array<i64: 1, 256>}, {pipeline_mode = #tpu.pipeline_mode<synchronous>, transform_indices = @transform_5, window_bounds = array<i64: 1, 256>}, {pipeline_mode = #tpu.pipeline_mode<synchronous>, transform_indices = @transform_6, window_bounds = array<i64: 1, 256>}, {pipeline_mode = #tpu.pipeline_mode<synchronous>, transform_indices = @transform_7, window_bounds = array<i64: 1, 256>}, {transform_indices = @transform_8, window_bounds = array<i64: 2000, 256>}]} {
    %get3A = arith.constant 0 : index
    %get3A_0 = arith.constant 0 : index
    %get3A_1 = vector.load %arg3[%get3A, %get3A_0] : memref<2000x1xf32, #tpu.memory_space<vmem>>, vector<2000x1xf32>
    %get3A_2 = arith.constant 0 : index
    %get3A_3 = arith.constant 0 : index
    %get3A_4 = arith.constant 0 : index
    %get3A_5 = vector.load %arg1[%get3A_2, %get3A_3, %get3A_4] : memref<2x2000x256xbf16, #tpu.memory_space<vmem>>, vector<2x2000x256xbf16>
    %slice3A = vector.extract_strided_slice %get3A_5 {offsets = [0, 0, 0], sizes = [1, 2000, 256], strides = [1, 1, 1]} : vector<2x2000x256xbf16> to vector<1x2000x256xbf16>
    %squeeze3A = vector.shape_cast %slice3A : vector<1x2000x256xbf16> to vector<2000x256xbf16>
    %convert_element_type3A = arith.extf %squeeze3A : vector<2000x256xbf16> to vector<2000x256xf32>
    %slice3A_6 = vector.extract_strided_slice %get3A_5 {offsets = [1, 0, 0], sizes = [1, 2000, 256], strides = [1, 1, 1]} : vector<2x2000x256xbf16> to vector<1x2000x256xbf16>
    %squeeze3A_7 = vector.shape_cast %slice3A_6 : vector<1x2000x256xbf16> to vector<2000x256xbf16>
    %convert_element_type3A_8 = arith.extf %squeeze3A_7 : vector<2000x256xbf16> to vector<2000x256xf32>
    %add3A = arith.addf %convert_element_type3A, %convert_element_type3A_8 : vector<2000x256xf32>
    %mul3A = vector.broadcast %get3A_1 : vector<2000x1xf32> to vector<2000x256xf32>
    %mul3A_9 = arith.mulf %add3A, %mul3A : vector<2000x256xf32>
    %mul3A_10 = arith.constant 0.899999976 : f32
    %mul3A_11 = vector.broadcast %mul3A_10 : f32 to vector<2000x256xf32>
    %mul3A_12 = arith.mulf %mul3A_11, %mul3A_9 : vector<2000x256xf32>
    %get3A_13 = arith.constant 0 : index
    %get3A_14 = arith.constant 0 : index
    %get3A_15 = vector.load %arg2[%get3A_13, %get3A_14] : memref<2000x256xf32, #tpu.memory_space<vmem>>, vector<2000x256xf32>
    %mul3A_16 = arith.constant 1.000000e-01 : f32
    %mul3A_17 = vector.broadcast %mul3A_16 : f32 to vector<2000x256xf32>
    %mul3A_18 = arith.mulf %mul3A_17, %get3A_15 : vector<2000x256xf32>
    %add3A_19 = arith.addf %mul3A_12, %mul3A_18 : vector<2000x256xf32>
    %mul3A_20 = arith.constant 0.845849335 : f32
    %mul3A_21 = vector.broadcast %mul3A_20 : f32 to vector<2000x256xf32>
    %mul3A_22 = arith.mulf %mul3A_21, %add3A_19 : vector<2000x256xf32>
    %get3A_23 = arith.constant 0 : index
    %get3A_24 = arith.constant 0 : index
    %get3A_25 = vector.load %arg4[%get3A_23, %get3A_24] : memref<256x256xf32, #tpu.memory_space<vmem>>, vector<256x256xf32>
    %dot_general3A = arith.constant dense<0.000000e+00> : vector<2000x256xf32>
    %dot_general3A_26 = tpu.matmul %add3A_19, %get3A_25, %dot_general3A {dimension_numbers = #tpu.dot_dimension_numbers<[1], [0], [0], [1], [0, 0, 1, 1], [], []>, transpose_lhs_hint = false} : vector<2000x256xf32>, vector<256x256xf32>, vector<2000x256xf32> -> vector<2000x256xf32>
    %mul3A_27 = arith.constant 0.15415068 : f32
    %mul3A_28 = vector.broadcast %mul3A_27 : f32 to vector<2000x256xf32>
    %mul3A_29 = arith.mulf %mul3A_28, %dot_general3A_26 : vector<2000x256xf32>
    %add3A_30 = arith.addf %mul3A_22, %mul3A_29 : vector<2000x256xf32>
    %get3A_31 = arith.constant 0 : index
    %get3A_32 = arith.constant 0 : index
    %get3A_33 = vector.load %arg5[%get3A_31, %get3A_32] : memref<1x256xf32, #tpu.memory_space<vmem>>, vector<1x256xf32>
    %get3A_34 = arith.constant 0 : index
    %get3A_35 = arith.constant 0 : index
    %get3A_36 = vector.load %arg8[%get3A_34, %get3A_35] : memref<1x256xf32, #tpu.memory_space<vmem>>, vector<1x256xf32>
    %add3A_37 = arith.constant 9.99999974E-6 : f32
    %add3A_38 = vector.broadcast %add3A_37 : f32 to vector<1x256xf32>
    %add3A_39 = arith.addf %get3A_36, %add3A_38 : vector<1x256xf32>
    %rsqrt3A = math.rsqrt %add3A_39 : vector<1x256xf32>
    %mul3A_40 = arith.mulf %get3A_33, %rsqrt3A : vector<1x256xf32>
    %get3A_41 = arith.constant 0 : index
    %get3A_42 = arith.constant 0 : index
    %get3A_43 = vector.load %arg7[%get3A_41, %get3A_42] : memref<1x256xf32, #tpu.memory_space<vmem>>, vector<1x256xf32>
    %sub3A = vector.broadcast %get3A_43 : vector<1x256xf32> to vector<2000x256xf32>
    %sub3A_44 = arith.subf %add3A_30, %sub3A : vector<2000x256xf32>
    %mul3A_45 = vector.broadcast %mul3A_40 : vector<1x256xf32> to vector<2000x256xf32>
    %mul3A_46 = arith.mulf %sub3A_44, %mul3A_45 : vector<2000x256xf32>
    %get3A_47 = arith.constant 0 : index
    %get3A_48 = arith.constant 0 : index
    %get3A_49 = vector.load %arg6[%get3A_47, %get3A_48] : memref<1x256xf32, #tpu.memory_space<vmem>>, vector<1x256xf32>
    %add3A_50 = vector.broadcast %get3A_49 : vector<1x256xf32> to vector<2000x256xf32>
    %add3A_51 = arith.addf %mul3A_46, %add3A_50 : vector<2000x256xf32>
    %max3A = arith.constant 0.000000e+00 : f32
    %max3A_52 = vector.broadcast %max3A : f32 to vector<2000x256xf32>
    %max3A_53 = arith.maximumf %add3A_51, %max3A_52 : vector<2000x256xf32>
    %mul3A_54 = vector.broadcast %get3A_1 : vector<2000x1xf32> to vector<2000x256xf32>
    %mul3A_55 = arith.mulf %max3A_53, %mul3A_54 : vector<2000x256xf32>
    %convert_element_type3A_56 = arith.truncf %mul3A_55 : vector<2000x256xf32> to vector<2000x256xbf16>
    %swap3A = arith.constant 0 : index
    %swap3A_57 = arith.constant 0 : index
    %swap3A_58 = vector.load %arg9[%swap3A, %swap3A_57] : memref<2000x256xbf16, #tpu.memory_space<vmem>>, vector<2000x256xbf16>
    tpu.vector_store %arg9[%swap3A, %swap3A_57], %convert_element_type3A_56 {strides = array<i32>} : memref<2000x256xbf16, #tpu.memory_space<vmem>>, vector<2000x256xbf16>,
    return
  }
  func.func @transform_0(%arg0: i32) -> (i32, i32, i32) {
    %c0_i32 = arith.constant 0 : i32
    %c0_i32_0 = arith.constant 0 : i32
    %c0_i32_1 = arith.constant 0 : i32
    return %c0_i32, %arg0, %c0_i32_0 : i32, i32, i32
  }
  func.func @transform_1(%arg0: i32) -> (i32, i32) {
    %c0_i32 = arith.constant 0 : i32
    %c0_i32_0 = arith.constant 0 : i32
    return %arg0, %c0_i32 : i32, i32
  }
  func.func @transform_2(%arg0: i32) -> (i32, i32) {
    %c0_i32 = arith.constant 0 : i32
    %c0_i32_0 = arith.constant 0 : i32
    return %arg0, %c0_i32 : i32, i32
  }
  func.func @transform_3(%arg0: i32) -> (i32, i32) {
    %c0_i32 = arith.constant 0 : i32
    %c0_i32_0 = arith.constant 0 : i32
    %c0_i32_1 = arith.constant 0 : i32
    return %c0_i32, %c0_i32_0 : i32, i32
  }
  func.func @transform_4(%arg0: i32) -> (i32, i32) {
    %c0_i32 = arith.constant 0 : i32
    %c0_i32_0 = arith.constant 0 : i32
    %c0_i32_1 = arith.constant 0 : i32
    return %c0_i32, %c0_i32_0 : i32, i32
  }
  func.func @transform_5(%arg0: i32) -> (i32, i32) {
    %c0_i32 = arith.constant 0 : i32
    %c0_i32_0 = arith.constant 0 : i32
    %c0_i32_1 = arith.constant 0 : i32
    return %c0_i32, %c0_i32_0 : i32, i32
  }
  func.func @transform_6(%arg0: i32) -> (i32, i32) {
    %c0_i32 = arith.constant 0 : i32
    %c0_i32_0 = arith.constant 0 : i32
    %c0_i32_1 = arith.constant 0 : i32
    return %c0_i32, %c0_i32_0 : i32, i32
  }
  func.func @transform_7(%arg0: i32) -> (i32, i32) {
    %c0_i32 = arith.constant 0 : i32
    %c0_i32_0 = arith.constant 0 : i32
    %c0_i32_1 = arith.constant 0 : i32
    return %c0_i32, %c0_i32_0 : i32, i32
  }
  func.func @transform_8(%arg0: i32) -> (i32, i32) {
    %c0_i32 = arith.constant 0 : i32
    %c0_i32_0 = arith.constant 0 : i32
    return %arg0, %c0_i32 : i32, i32
  }
}

module attributes {stable_mosaic.version = 14 : i64} {
  func.func @_tc_last_body(%arg0: i32, %arg1: memref<2x2000x256xbf16, #tpu.memory_space<vmem>>, %arg2: memref<2000x256xf32, #tpu.memory_space<vmem>>, %arg3: memref<2000x1xf32, #tpu.memory_space<vmem>>, %arg4: memref<256x256xf32, #tpu.memory_space<vmem>>, %arg5: memref<1x256xf32, #tpu.memory_space<vmem>>, %arg6: memref<1x256xf32, #tpu.memory_space<vmem>>, %arg7: memref<1x256xf32, #tpu.memory_space<vmem>>, %arg8: memref<1x256xf32, #tpu.memory_space<vmem>>, %arg9: memref<256x64xf32, #tpu.memory_space<vmem>>, %arg10: memref<1x64xf32, #tpu.memory_space<vmem>>, %arg11: memref<2000x64xf32, #tpu.memory_space<vmem>>) attributes {dimension_semantics = [#tpu.dimension_semantics<arbitrary>], iteration_bounds = array<i64: 5>, scalar_prefetch = 0 : i64, scratch_operands = 0 : i64, tpu.core_type = #tpu.core_type<tc>, window_params = [{transform_indices = @transform_0, window_bounds = array<i64: 2, 2000, 256>}, {transform_indices = @transform_1, window_bounds = array<i64: 2000, 256>}, {transform_indices = @transform_2, window_bounds = array<i64: 2000, 1>}, {pipeline_mode = #tpu.pipeline_mode<synchronous>, transform_indices = @transform_3, window_bounds = array<i64: 256, 256>}, {pipeline_mode = #tpu.pipeline_mode<synchronous>, transform_indices = @transform_4, window_bounds = array<i64: 1, 256>}, {pipeline_mode = #tpu.pipeline_mode<synchronous>, transform_indices = @transform_5, window_bounds = array<i64: 1, 256>}, {pipeline_mode = #tpu.pipeline_mode<synchronous>, transform_indices = @transform_6, window_bounds = array<i64: 1, 256>}, {pipeline_mode = #tpu.pipeline_mode<synchronous>, transform_indices = @transform_7, window_bounds = array<i64: 1, 256>}, {pipeline_mode = #tpu.pipeline_mode<synchronous>, transform_indices = @transform_8, window_bounds = array<i64: 256, 64>}, {pipeline_mode = #tpu.pipeline_mode<synchronous>, transform_indices = @transform_9, window_bounds = array<i64: 1, 64>}, {transform_indices = @transform_10, window_bounds = array<i64: 2000, 64>}]} {
    %get3A = arith.constant 0 : index
    %get3A_0 = arith.constant 0 : index
    %get3A_1 = vector.load %arg3[%get3A, %get3A_0] : memref<2000x1xf32, #tpu.memory_space<vmem>>, vector<2000x1xf32>
    %get3A_2 = arith.constant 0 : index
    %get3A_3 = arith.constant 0 : index
    %get3A_4 = arith.constant 0 : index
    %get3A_5 = vector.load %arg1[%get3A_2, %get3A_3, %get3A_4] : memref<2x2000x256xbf16, #tpu.memory_space<vmem>>, vector<2x2000x256xbf16>
    %slice3A = vector.extract_strided_slice %get3A_5 {offsets = [0, 0, 0], sizes = [1, 2000, 256], strides = [1, 1, 1]} : vector<2x2000x256xbf16> to vector<1x2000x256xbf16>
    %squeeze3A = vector.shape_cast %slice3A : vector<1x2000x256xbf16> to vector<2000x256xbf16>
    %convert_element_type3A = arith.extf %squeeze3A : vector<2000x256xbf16> to vector<2000x256xf32>
    %slice3A_6 = vector.extract_strided_slice %get3A_5 {offsets = [1, 0, 0], sizes = [1, 2000, 256], strides = [1, 1, 1]} : vector<2x2000x256xbf16> to vector<1x2000x256xbf16>
    %squeeze3A_7 = vector.shape_cast %slice3A_6 : vector<1x2000x256xbf16> to vector<2000x256xbf16>
    %convert_element_type3A_8 = arith.extf %squeeze3A_7 : vector<2000x256xbf16> to vector<2000x256xf32>
    %add3A = arith.addf %convert_element_type3A, %convert_element_type3A_8 : vector<2000x256xf32>
    %mul3A = vector.broadcast %get3A_1 : vector<2000x1xf32> to vector<2000x256xf32>
    %mul3A_9 = arith.mulf %add3A, %mul3A : vector<2000x256xf32>
    %mul3A_10 = arith.constant 0.899999976 : f32
    %mul3A_11 = vector.broadcast %mul3A_10 : f32 to vector<2000x256xf32>
    %mul3A_12 = arith.mulf %mul3A_11, %mul3A_9 : vector<2000x256xf32>
    %get3A_13 = arith.constant 0 : index
    %get3A_14 = arith.constant 0 : index
    %get3A_15 = vector.load %arg2[%get3A_13, %get3A_14] : memref<2000x256xf32, #tpu.memory_space<vmem>>, vector<2000x256xf32>
    %mul3A_16 = arith.constant 1.000000e-01 : f32
    %mul3A_17 = vector.broadcast %mul3A_16 : f32 to vector<2000x256xf32>
    %mul3A_18 = arith.mulf %mul3A_17, %get3A_15 : vector<2000x256xf32>
    %add3A_19 = arith.addf %mul3A_12, %mul3A_18 : vector<2000x256xf32>
    %mul3A_20 = arith.constant 0.882216989 : f32
    %mul3A_21 = vector.broadcast %mul3A_20 : f32 to vector<2000x256xf32>
    %mul3A_22 = arith.mulf %mul3A_21, %add3A_19 : vector<2000x256xf32>
    %get3A_23 = arith.constant 0 : index
    %get3A_24 = arith.constant 0 : index
    %get3A_25 = vector.load %arg4[%get3A_23, %get3A_24] : memref<256x256xf32, #tpu.memory_space<vmem>>, vector<256x256xf32>
    %dot_general3A = arith.constant dense<0.000000e+00> : vector<2000x256xf32>
    %dot_general3A_26 = tpu.matmul %add3A_19, %get3A_25, %dot_general3A {dimension_numbers = #tpu.dot_dimension_numbers<[1], [0], [0], [1], [0, 0, 1, 1], [], []>, transpose_lhs_hint = false} : vector<2000x256xf32>, vector<256x256xf32>, vector<2000x256xf32> -> vector<2000x256xf32>
    %mul3A_27 = arith.constant 0.117783032 : f32
    %mul3A_28 = vector.broadcast %mul3A_27 : f32 to vector<2000x256xf32>
    %mul3A_29 = arith.mulf %mul3A_28, %dot_general3A_26 : vector<2000x256xf32>
    %add3A_30 = arith.addf %mul3A_22, %mul3A_29 : vector<2000x256xf32>
    %get3A_31 = arith.constant 0 : index
    %get3A_32 = arith.constant 0 : index
    %get3A_33 = vector.load %arg5[%get3A_31, %get3A_32] : memref<1x256xf32, #tpu.memory_space<vmem>>, vector<1x256xf32>
    %get3A_34 = arith.constant 0 : index
    %get3A_35 = arith.constant 0 : index
    %get3A_36 = vector.load %arg8[%get3A_34, %get3A_35] : memref<1x256xf32, #tpu.memory_space<vmem>>, vector<1x256xf32>
    %add3A_37 = arith.constant 9.99999974E-6 : f32
    %add3A_38 = vector.broadcast %add3A_37 : f32 to vector<1x256xf32>
    %add3A_39 = arith.addf %get3A_36, %add3A_38 : vector<1x256xf32>
    %rsqrt3A = math.rsqrt %add3A_39 : vector<1x256xf32>
    %mul3A_40 = arith.mulf %get3A_33, %rsqrt3A : vector<1x256xf32>
    %get3A_41 = arith.constant 0 : index
    %get3A_42 = arith.constant 0 : index
    %get3A_43 = vector.load %arg7[%get3A_41, %get3A_42] : memref<1x256xf32, #tpu.memory_space<vmem>>, vector<1x256xf32>
    %sub3A = vector.broadcast %get3A_43 : vector<1x256xf32> to vector<2000x256xf32>
    %sub3A_44 = arith.subf %add3A_30, %sub3A : vector<2000x256xf32>
    %mul3A_45 = vector.broadcast %mul3A_40 : vector<1x256xf32> to vector<2000x256xf32>
    %mul3A_46 = arith.mulf %sub3A_44, %mul3A_45 : vector<2000x256xf32>
    %get3A_47 = arith.constant 0 : index
    %get3A_48 = arith.constant 0 : index
    %get3A_49 = vector.load %arg6[%get3A_47, %get3A_48] : memref<1x256xf32, #tpu.memory_space<vmem>>, vector<1x256xf32>
    %add3A_50 = vector.broadcast %get3A_49 : vector<1x256xf32> to vector<2000x256xf32>
    %add3A_51 = arith.addf %mul3A_46, %add3A_50 : vector<2000x256xf32>
    %max3A = arith.constant 0.000000e+00 : f32
    %max3A_52 = vector.broadcast %max3A : f32 to vector<2000x256xf32>
    %max3A_53 = arith.maximumf %add3A_51, %max3A_52 : vector<2000x256xf32>
    %get3A_54 = arith.constant 0 : index
    %get3A_55 = arith.constant 0 : index
    %get3A_56 = vector.load %arg9[%get3A_54, %get3A_55] : memref<256x64xf32, #tpu.memory_space<vmem>>, vector<256x64xf32>
    %dot_general3A_57 = arith.constant dense<0.000000e+00> : vector<2000x64xf32>
    %dot_general3A_58 = tpu.matmul %max3A_53, %get3A_56, %dot_general3A_57 {dimension_numbers = #tpu.dot_dimension_numbers<[1], [0], [0], [1], [0, 0, 1, 1], [], []>, transpose_lhs_hint = false} : vector<2000x256xf32>, vector<256x64xf32>, vector<2000x64xf32> -> vector<2000x64xf32>
    %get3A_59 = arith.constant 0 : index
    %get3A_60 = arith.constant 0 : index
    %get3A_61 = vector.load %arg10[%get3A_59, %get3A_60] : memref<1x64xf32, #tpu.memory_space<vmem>>, vector<1x64xf32>
    %add3A_62 = vector.broadcast %get3A_61 : vector<1x64xf32> to vector<2000x64xf32>
    %add3A_63 = arith.addf %dot_general3A_58, %add3A_62 : vector<2000x64xf32>
    %reduce_max3A = arith.constant dense<0xFF800000> : vector<2000xf32>
    %reduce_max3A_64 = vector.multi_reduction <maximumf>, %add3A_63, %reduce_max3A [1] : vector<2000x64xf32> to vector<2000xf32>
    %broadcast_in_dim3A = vector.shape_cast %reduce_max3A_64 : vector<2000xf32> to vector<2000x1xf32>
    %sub3A_65 = vector.broadcast %broadcast_in_dim3A : vector<2000x1xf32> to vector<2000x64xf32>
    %sub3A_66 = arith.subf %add3A_63, %sub3A_65 : vector<2000x64xf32>
    %exp3A = math.exp %sub3A_66 : vector<2000x64xf32>
    %reduce_sum3A = arith.constant dense<0.000000e+00> : vector<2000xf32>
    %reduce_sum3A_67 = vector.multi_reduction <add>, %exp3A, %reduce_sum3A [1] : vector<2000x64xf32> to vector<2000xf32>
    %broadcast_in_dim3A_68 = vector.shape_cast %reduce_sum3A_67 : vector<2000xf32> to vector<2000x1xf32>
    %log3A = math.log %broadcast_in_dim3A_68 : vector<2000x1xf32>
    %sub3A_69 = vector.broadcast %log3A : vector<2000x1xf32> to vector<2000x64xf32>
    %sub3A_70 = arith.subf %sub3A_66, %sub3A_69 : vector<2000x64xf32>
    %swap3A = arith.constant 0 : index
    %swap3A_71 = arith.constant 0 : index
    %swap3A_72 = vector.load %arg11[%swap3A, %swap3A_71] : memref<2000x64xf32, #tpu.memory_space<vmem>>, vector<2000x64xf32>
    tpu.vector_store %arg11[%swap3A, %swap3A_71], %sub3A_70 {strides = array<i32>} : memref<2000x64xf32, #tpu.memory_space<vmem>>, vector<2000x64xf32>,
    return
  }
  func.func @transform_0(%arg0: i32) -> (i32, i32, i32) {
    %c0_i32 = arith.constant 0 : i32
    %c0_i32_0 = arith.constant 0 : i32
    %c0_i32_1 = arith.constant 0 : i32
    return %c0_i32, %arg0, %c0_i32_0 : i32, i32, i32
  }
  func.func @transform_1(%arg0: i32) -> (i32, i32) {
    %c0_i32 = arith.constant 0 : i32
    %c0_i32_0 = arith.constant 0 : i32
    return %arg0, %c0_i32 : i32, i32
  }
  func.func @transform_2(%arg0: i32) -> (i32, i32) {
    %c0_i32 = arith.constant 0 : i32
    %c0_i32_0 = arith.constant 0 : i32
    return %arg0, %c0_i32 : i32, i32
  }
  func.func @transform_3(%arg0: i32) -> (i32, i32) {
    %c0_i32 = arith.constant 0 : i32
    %c0_i32_0 = arith.constant 0 : i32
    %c0_i32_1 = arith.constant 0 : i32
    return %c0_i32, %c0_i32_0 : i32, i32
  }
  func.func @transform_4(%arg0: i32) -> (i32, i32) {
    %c0_i32 = arith.constant 0 : i32
    %c0_i32_0 = arith.constant 0 : i32
    %c0_i32_1 = arith.constant 0 : i32
    return %c0_i32, %c0_i32_0 : i32, i32
  }
  func.func @transform_5(%arg0: i32) -> (i32, i32) {
    %c0_i32 = arith.constant 0 : i32
    %c0_i32_0 = arith.constant 0 : i32
    %c0_i32_1 = arith.constant 0 : i32
    return %c0_i32, %c0_i32_0 : i32, i32
  }
  func.func @transform_6(%arg0: i32) -> (i32, i32) {
    %c0_i32 = arith.constant 0 : i32
    %c0_i32_0 = arith.constant 0 : i32
    %c0_i32_1 = arith.constant 0 : i32
    return %c0_i32, %c0_i32_0 : i32, i32
  }
  func.func @transform_7(%arg0: i32) -> (i32, i32) {
    %c0_i32 = arith.constant 0 : i32
    %c0_i32_0 = arith.constant 0 : i32
    %c0_i32_1 = arith.constant 0 : i32
    return %c0_i32, %c0_i32_0 : i32, i32
  }
  func.func @transform_8(%arg0: i32) -> (i32, i32) {
    %c0_i32 = arith.constant 0 : i32
    %c0_i32_0 = arith.constant 0 : i32
    %c0_i32_1 = arith.constant 0 : i32
    return %c0_i32, %c0_i32_0 : i32, i32
  }
  func.func @transform_9(%arg0: i32) -> (i32, i32) {
    %c0_i32 = arith.constant 0 : i32
    %c0_i32_0 = arith.constant 0 : i32
    %c0_i32_1 = arith.constant 0 : i32
    return %c0_i32, %c0_i32_0 : i32, i32
  }
  func.func @transform_10(%arg0: i32) -> (i32, i32) {
    %c0_i32 = arith.constant 0 : i32
    %c0_i32_0 = arith.constant 0 : i32
    return %arg0, %c0_i32 : i32, i32
  }
}

</mosaic_0001>

<sc_bundles>
// kernel: kernel.12.cloned.1.call-start
scs
__scs_entry_jumppad:
0x0: {  	(pc) =	sbr.rel $0x88, $3  }
0x1: {  	(tag) =	ssettag $0x0;
	lr =	simm.s32 $0x1  }
0x2: {  	[smem:$0x3F96] =	sst lr;
	_ =	strace $0xD0000000  }
0x3: {  	_ = 	snop  }
0x4: {  	_ = 	snop  }
0x5: {  	_ = 	snop  }
0x6: {  	_ = 	snop  }
0x7: {  	_ = 	snop  }
__scs_overlays_trampoline_lowered:
0x8: {  	[smem:$0x3FA5] =	sst s0  }
0x9: {  	[smem:$0x3FA6] =	sst s1  }
0xa: {  	[smem:$0x3FA7] =	sst s2  }
0xb: {  	[smem:$0x3FA8] =	sst s3  }
0xc: {  	[smem:$0x3FA9] =	sst s4  }
0xd: {  	[smem:$0x3FAA] =	sst s5  }
0xe: {  	[smem:$0x3FAB] =	sst s6  }
0xf: {  	[smem:$0x3FAC] =	sst s7  }
0x10: {  	[smem:$0x3FAD] =	sst s8  }
0x11: {  	[smem:$0x3FAE] =	sst s9;
	s0 =	simm.s32 @!p0 $0x0  }
0x12: {  	s1 =	sld [smem:$0x3F94];
	s0 =	simm.s32 @p0 $0x1  }
0x13: {  	[smem:$0x3FAF] =	sst s0;
	s0 =	simm.s32 @!p1 $0x0  }
0x14: {  	s2 =	sld [smem:$0x3F93];
	s0 =	simm.s32 @p1 $0x1  }
0x15: {  	[smem:$0x3FB0] =	sst s0;
	s0 =	simm.s32 @!p2 $0x0  }
0x16: {  	s3 =	sld [smem:$0x3FDB];
	s0 =	simm.s32 @p2 $0x1  }
0x17: {  	s4 =	simm.s32 $0x1BF5;
	[smem:$0x3FB2] =	sst s0  }
0x18: {  	s0 =	sld [smem:$0x3F95];
	_ =	swait.ge [sflag:s4], $0x0  }
0x19: {  	s7 =	sld [smem:$0x3F96]  }
0x1a: {  	s8 =	sadd.s32 $0xFFFFE003, lr  }
0x1b: {  	s9 =	sadd.s32 $0xFFFFFEF7, lr;
	s5 =	simm.s32 $0xFFFFFFFF;
	p2 =	slt.u32 s8, $0xFFFFF086  }
0x1c: {  	p1 =	slt.u32 s9, $0xF7A;
	s5 =	simm.s32 @!p2 $0x0  }
0x1d: {  	s5 =	simm.s32 @p1 $0x1;
	p0 =	seq.s32 s7, s2  }
0x1e: {  	s7 =	smul.u32 @!p0 $0xF7A, s2;
	p2 =	seq.s32 @!p0 s5, $0x0  }
0x1f: {  	s9 =	smul.u32 $0xF7A, s1;
	s8 =	simm.s32 @!p0 $0x1BF5;
	p2 =	por !p2, p0  }
0x20: {  	[sflag:s8] =	ssyncset.s32 @!p0 $0xFFFFF086;
	s6 =	sadd.s32 @!p0 s3, s7;
	s7 =	simm.s32 @!p0 $0x108  }
0x21: {  	s3 =	sadd.s32 s3, s9;
	s6 =	sadd.s32 @!p0 $0x88, s6;
	s7 =	simm.s32 @p2 $0x1082  }
0x22: {  	[simem:s7], [sflag:s8] =	dma.local @!p0 [hbm:s6], $0xF7A  }
0x23: {  	s9 =	sor.u32 $0xD0000000, s2;
	s6 =	simm.s32 $0x108;
	_ =	swait.ge @!p0 [sflag:s8], $0x0  }
0x24: {  	s3 =	sadd.s32 $0x88, s3;
	s6 =	simm.s32 @!p1 $0x1082;
	[sflag:s4] =	ssyncset.s32 $0xFFFFF086  }
0x25: {  	[simem:s6], [sflag:s4] =	dma.local [hbm:s3], $0xF7A  }
0x26: {  	[smem:$0x3F96] =	sst s1;
	(tag) =	ssettag s2;
	_ =	strace s9  }
0x27: {  	s1 =	sld [smem:$0x3FA6]  }
0x28: {  	s2 =	sld [smem:$0x3FA7]  }
0x29: {  	s4 =	sld [smem:$0x3FA9]  }
0x2a: {  	p0 =	seq.s32 s5, $0x0;
	s5 =	sld [smem:$0x3FAA]  }
0x2b: {  	s6 =	sld [smem:$0x3FAB]  }
0x2c: {  	s7 =	sld [smem:$0x3FAC]  }
0x2d: {  	s3 =	simm.s32 $0x108;
	s8 =	sld [smem:$0x3FAD]  }
0x2e: {  	s3 =	simm.s32 @!p0 $0x1082;
	s9 =	sld [smem:$0x3FAE]  }
0x2f: {  	lr =	sadd.s32 s0, s3;
	s0 =	sld [smem:$0x3FA5]  }
0x30: {  	s3 =	sld [smem:$0x3FA8]  }
0x31: {  	[smem:$0x3FB1] =	sst s10  }
0x32: {  	s10 =	sld [smem:$0x3FAF];
	_ =	sdelay $0x3  }
0x33: {  	p0 =	seq.s32 s10, $0x1;
	s10 =	sld [smem:$0x3FB1];
	_ =	sdelay $0x3  }
0x34: {  	[smem:$0x3FB1] =	sst s10  }
0x35: {  	s10 =	sld [smem:$0x3FB0];
	_ =	sdelay $0x3  }
0x36: {  	p1 =	seq.s32 s10, $0x1;
	s10 =	sld [smem:$0x3FB1];
	_ =	sdelay $0x3  }
0x37: {  	[smem:$0x3FB1] =	sst s10  }
0x38: {  	s10 =	sld [smem:$0x3FB2]  }
0x39: {  	_ = 	snop;
	(pc) =	sbr.ind lr, $3  }
0x3a: {  	_ = 	snop  }
0x3b: {  	_ = 	snop  }
0x3c: {  	p2 =	seq.s32 s10, $0x1;
	s10 =	sld [smem:$0x3FB1]  }
0x3d: {  	_ =	shalt  }
0x3e: {  	_ =	shalt  }
0x3f: {  	_ =	shalt  }
0x40: {  	_ =	shalt  }
0x41: {  	_ =	shalt  }
0x42: {  	_ =	shalt  }
0x43: {  	_ =	shalt  }
0x44: {  	_ =	shalt  }
0x45: {  	_ =	shalt  }
0x46: {  	_ =	shalt  }
0x47: {  	_ =	shalt  }
0x48: {  	_ =	shalt  }
0x49: {  	_ =	shalt  }
0x4a: {  	_ =	shalt  }
0x4b: {  	_ =	shalt  }
0x4c: {  	_ =	shalt  }
0x4d: {  	_ =	shalt  }
0x4e: {  	_ =	shalt  }
0x4f: {  	_ =	shalt  }
0x50: {  	_ =	shalt  }
0x51: {  	_ =	shalt  }
0x52: {  	_ =	shalt  }
0x53: {  	_ =	shalt  }
0x54: {  	_ =	shalt  }
0x55: {  	_ =	shalt  }
0x56: {  	_ =	shalt  }
0x57: {  	_ =	shalt  }
0x58: {  	_ =	shalt  }
0x59: {  	_ =	shalt  }
0x5a: {  	_ =	shalt  }
0x5b: {  	_ =	shalt  }
0x5c: {  	_ =	shalt  }
0x5d: {  	_ =	shalt  }
0x5e: {  	_ =	shalt  }
0x5f: {  	_ =	shalt  }
0x60: {  	_ =	shalt  }
0x61: {  	_ =	shalt  }
0x62: {  	_ =	shalt  }
0x63: {  	_ =	shalt  }
0x64: {  	_ =	shalt  }
0x65: {  	_ =	shalt  }
0x66: {  	_ =	shalt  }
0x67: {  	_ =	shalt  }
0x68: {  	_ =	shalt  }
0x69: {  	_ =	shalt  }
0x6a: {  	_ =	shalt  }
0x6b: {  	_ =	shalt  }
0x6c: {  	_ =	shalt  }
0x6d: {  	_ =	shalt  }
0x6e: {  	_ =	shalt  }
0x6f: {  	_ =	shalt  }
0x70: {  	_ =	shalt  }
0x71: {  	_ =	shalt  }
0x72: {  	_ =	shalt  }
0x73: {  	_ =	shalt  }
0x74: {  	_ =	shalt  }
0x75: {  	_ =	shalt  }
0x76: {  	_ =	shalt  }
0x77: {  	_ =	shalt  }
0x78: {  	_ =	shalt  }
0x79: {  	_ =	shalt  }
0x7a: {  	_ =	shalt  }
0x7b: {  	_ =	shalt  }
0x7c: {  	_ =	shalt  }
0x7d: {  	_ =	shalt  }
0x7e: {  	_ =	shalt  }
0x7f: {  	_ =	shalt  }
0x80: {  	_ =	shalt  }
0x81: {  	_ =	shalt  }
0x82: {  	_ =	shalt  }
0x83: {  	_ =	shalt  }
0x84: {  	_ =	shalt  }
0x85: {  	_ =	shalt  }
0x86: {  	_ =	shalt  }
0x87: {  	_ =	shalt  }
.Lfunc_end0:
.L_simem_size_0:
called_computation_lowered:
.L_overlay_start_0:
0x88: {  	s2 =	sld [smem:$0x3FD9]  }
0x89: {  	s3 =	sld [smem:$0x3FFE];
	_ =	sdelay $0x1  }
0x8a: {  	s1 =	srdreg.scid  }
0x8b: {  	s0 =	sand.u32 $0x1, s1  }
0x8c: {  	s16 =	sshll.u32 s0, $0xA;
	s2 =	sadd.s32 s3, s2  }
0x8d: {  	s2 =	sadd.s32 s2, s16  }
0x8e: {  	[smem:$0x3FBD] =	sst s2  }
0x8f: {  	_ = 	snop  }
0x90: {  	(tm) =	ssettm $0x1  }
0x91: {  	s17 =	sld [smem:$0x3FFB];
	_ =	sdelay $0x3  }
0x92: {  	_ =	strace s17  }
0x93: {  	s2 =	sld [smem:$0x3FFC];
	_ =	sdelay $0x3  }
0x94: {  	_ =	strace s2  }
0x95: {  	s2 =	sld [smem:$0x3FFD];
	_ =	sdelay $0x3  }
0x96: {  	_ =	strace s2  }
0x97: {  	_ =	strace $0x8FFFFFFF  }
0x98: {  	s18 =	sld [smem:$0x3FDB];
	_ =	sdelay $0x1  }
0x99: {  	s19 =	simm.s32 $_scs_section_size  }
0x9a: {  	s4 =	simm.s32 $_size__tile_overlayer_lowered;
	s5 =	simm.s32 $_tile_overlayer_lowered  }
0x9b: {  	s22 =	simm.s32 $0x1BFF;
	s21 =	sshll.u32 s5, $0x1;
	s2 =	sadd.s32 s19, s18  }
0x9c: {  	s6 =	simm.s32 $0x0;
	s20 =	sshll.u32 s4, $0x1;
	s4 =	sadd.s32 s21, s2  }
0x9d: {  	[timem:s6], [sflag:s22] =	dma.local [hbm:s4], s20  }
0x9e: {  	_ =	swait.ge [sflag:s22], s20  }
0x9f: {  	s3 =	ssub.s32 $0x0, s20;
	[sflag:s22] =	ssyncset.done $0x0  }
0xa0: {  	[sflag:s22] =	ssyncadd.s32 s3;
	_ =	sdelay $0x1  }
0xa1: {  	s23 =	simm.s32 $0x1B8B  }
0xa2: {  	_ =	swait.ge [sflag:s23], $0x1  }
0xa3: {  	[sflag:s23] =	ssyncset.done $0x0  }
0xa4: {  	s25 =	simm.s32 $0x1B8E;
	s24 =	sld [smem:$0x3FFE];
	[sflag:s23] =	ssyncadd.s32 $0xFFFFFFFF  }
0xa5: {  	s26 =	simm.s32 $execute0_lowered;
	[smem:$0x3FD2] =	sst s25  }
0xa6: {  	s4 =	sshll.u32 s26, $0x1;
	_ =	strace $0x80000046;
	[dreg:$0x1] =	wrdreg $0xFFFFFFFF  }
0xa7: {  	s28 =	simm.s32 $_size_execute0_lowered;
	s2 =	sadd.s32 s2, s4;
	[dreg:$0x0] =	wrdreg $0x0  }
0xa8: {  	s4 =	sshll.u32 s28, $0x1;
	[dreg:$0x2] =	wrdreg s2  }
0xa9: {  	[dreg:$0x3] =	wrdreg s4  }
0xaa: {  	[dreg:$0x4] =	wrdreg $0xC0  }
0xab: {  	_ =	task [dreg:s6], $0x5FFFF  }
0xac: {  	[dreg:$0x1] =	wrdreg $0xFFFFFFFF  }
0xad: {  	[dreg:$0x0] =	wrdreg $0x60  }
0xae: {  	[dreg:$0x2] =	wrdreg s24  }
0xaf: {  	[dreg:$0x3] =	wrdreg $0x2F800  }
0xb0: {  	[dreg:$0x4] =	wrdreg $0x9  }
0xb1: {  	_ =	task.clear_ibuf [dreg:s6], $0x5FFFF;
	_ =	strace $0x90000046  }
0xb2: {  	s29 =	simm.s32 $0x9;
	_ =	strace $0x80000048  }
0xb3: {  	_ =	swait.ge [sflag:s29], $0x1  }
0xb4: {  	[sflag:s29] =	ssyncadd.s32 $0xFFFFFFFF  }
0xb5: {  	_ =	strace $0x90000048  }
0xb6: {  	_ =	sfence  }
0xb7: {  	s30 =	sld [smem:$0x0];
	_ =	sdelay $0x2  }
0xb8: {  	s31 =	sshll.u32 s1, $0xD;
	s1 =	sshrl.u32 s1, $0x2  }
0xb9: {  	s3 =	sand.u32 $0x4000, s31;
	s1 =	sadd.s32 s1, s30  }
0xba: {  	s0 =	sor.u32 s3, s0;
	s1 =	sshll.u32 s1, $0x11  }
0xbb: {  	s0 =	sor.u32 s1, s0  }
0xbc: {  	s0 =	sadd.s32 $0x8F2B, s0  }
0xbd: {  	[sflag:s0] =	ssyncadd.remote.s32 $0x1  }
0xbe: {  	_ =	sfence.sel $0xFFFF  }
0xbf: {  	[dreg:$0x0] =	wrdreg $0xFFFFFFFF;
	(pc) =	sbr.abs _section_cstart, $3  }
0xc0: {  	[dreg:$0x1] =	wrdreg $0xFFFFFFFF  }
0xc1: {  	_ =	task.clear_ibuf [dreg:s6], $0x2FFFF;
	_ =	strace $0x9FFFFFFF  }
0xc2: {  	(tm) =	ssettm $0x7FFFFFFF  }
0xc3: {  	_ =	shalt  }
tec
execute0_lowered:
.L_overlay_start_1:
0x0: {  	(tag) =	ssettag $0x1  }
0x1: {  	s5 =	rddreg [dreg:$0x0]  }
0x2: {  	s0 =	srdreg.scid;
	s2 =	rddreg [dreg:$0x1]  }
0x3: {  	s3 =	simm.s32 $0x0;
	s12 =	simm.s32 $0x2780;
	s13 =	simm.s32 $0x80  }
0x4: {  	s14 =	simm.s32 $0x0;
	s4 =	sand.u32 $0x1, s0;
	s0 =	stileid.u32  }
0x5: {  	[smem:$0x7FF] =	sst s3;
	s1 =	sshll.u32 s4, $0x4;
	s7 =	smul.u32 $0x2700, s0  }
0x6: {  	s8 =	smul.u32 $0x27100, s4;
	s10 =	ssub.s32 $0x2, s4;
	s4 =	sadd.s32 $0xD000, s5  }
0x7: {  	s31 =	sshll.u32 s0, $0x6;
	s1 =	sor.u32 s0, s1;
	s11 =	sshrl.u32 s10, $0x1  }
0x8: {  	s6 =	smul.u32 $0x4F0, s1;
	s1 =	rddreg [dreg:$0x2];
	_ =	strace $0x80000047  }
0x9: {  	s29 =	sshrl.u32 s7, $0x3;
	s8 =	sadd.s32 s7, s8;
	s10 =	ssub.s32 s10, s11  }
0xa: {  	s30 =	sadd.s32 s7, s2;
	s11 =	simm.s32 $0x1;
	s8 =	sshrl.u32 s8, $0x3  }
0xb: {  	s9 =	sadd.s32 s6, s5;
	s6 =	sadd.s32 s29, s5;
	s8 =	sadd.s32 s8, s5  }
0xc: {  	s5 =	sadd.s32 $0xD200, s6;
	s6 =	sor.u32 $0x1C01, s31;
	s7 =	sadd.s32 $0x3200, s9  }
0xd: {  	s8 =	sadd.s32 $0x12200, s8;
	s9 =	smax.u32 s10, $0x1;
	s10 =	sshrl.u32 s30, $0x3  }
.LBB2_1:
0xe: {  	[spmem:s10], [sflag:s6] =	dma.local [hbm:s5], $0x500  }
0xf: {  	_ =	swait.ge [sflag:s11], $0x500  }
0x10: {  	[sflag:s11] =	ssyncset.done $0x0  }
0x11: {  	[sflag:s11] =	ssyncadd.s32 $0xFFFFFB00  }
0x12: {  	[tilespmem:s12], [sflag:$0x1] =	stream.linear.gather [hbm4b:s4+s3], $0x800, $0x38;
	[tilespmem:$0x56A0] =	vst v63  }
0x13: {  	_ =	swait.ge [sflag:s11], $0x800  }
0x14: {  	[sflag:s11] =	ssyncset.done $0x0  }
0x15: {  	[sflag:s11] =	ssyncadd.s32 $0xFFFFF800  }
0x16: {  	[tilespmem:s3], [sflag:$0x1] =	stream.linear.gather [hbm4b:s7+s3], $0x2780, $0x38;
	[tilespmem:$0x56A0] =	vst v63  }
0x17: {  	_ =	swait.ge [sflag:s11], $0x2780  }
0x18: {  	[sflag:s11] =	ssyncset.done $0x0  }
0x19: {  	[sflag:s11] =	ssyncadd.s32 $0xFFFFD880  }
0x1a: {  	s15 =	simm.s32 $0x0;
	[bflag:$0x0] =	sbarrier.arrive $0xFFFF  }
0x1b: {  	[spmem:s2] =	stream.indirect.scatter.add.f32 [tilespmem:s12], [sflag:$0x1], $0x10, s15, s13, $0xb8;
	[tilespmem:$0x56A0] =	vst v63  }
0x1c: {  	_ =	swait.ge [sflag:s11], $0x800  }
0x1d: {  	s15 =	simm.s32 $0x200;
	[sflag:s11] =	ssyncset.done $0x0  }
.LBB2_2:
0x1e: {  	s16 =	sshra.s32 s15, $0x2;
	[sflag:s11] =	ssyncadd.s32 $0xFFFFF800;
	p0 =	sne.s32 s15, $0x9C00  }
0x1f: {  	[spmem:s2] =	stream.indirect.scatter.add.f32 [tilespmem:s12], [sflag:$0x1], $0x10, s16, s13, $0xb8;
	[tilespmem:$0x56A0] =	vst v63  }
.Ltmp0:
0x20: {  	_ = 	snop;
	(pc) =	sbr.rel @p0 .LBB2_2-.Ltmp0, $4  }
0x21: {  	_ = 	snop  }
0x22: {  	s15 =	sadd.s32 $0x200, s15  }
0x23: {  	_ =	swait.ge [sflag:s11], $0x800  }
0x24: {  	[sflag:s11] =	ssyncset.done $0x0  }
0x25: {  	s14 =	sadd.s32 $0x1, s14  }
0x26: {  	[sflag:s11] =	ssyncadd.s32 $0xFFFFF800;
	p0 =	sne.s32 s14, s9  }
.Ltmp1:
0x27: {  	[bflag:$0x0] =	sbarrier.arrive $0xFFFF;
	(pc) =	sbr.rel @p0 .LBB2_1-.Ltmp1, $4  }
0x28: {  	[hbm:s8], [sflag:s6] =	dma.local [spmem:s10], $0x500  }
0x29: {  	_ =	swait.ge [sflag:s11], $0x500  }
0x2a: {  	[sflag:s11] =	ssyncset.done $0x0  }
0x2b: {  	[sflag:s11] =	ssyncadd.s32 $0xFFFFFB00  }
0x2c: {  	_ =	sfence.sel $0x180000  }
0x2d: {  	[bflag:$0x0] =	sbarrier.arrive $0xFFFF  }
0x2e: {  	p0 =	sne.s32 s0, $0x0;
	_ =	strace $0x90000047  }
0x2f: {  	s0 =	sadd.s32 @!p0 $0x100000, s1;
	[bflag:$0x2] =	sbarrier.arrive $0xFFFF  }
0x30: {  	[sflag:s0] =	ssyncadd.tile.s32 @!p0 $0x1;
	_ =	shalt  }
.Lfunc_end2:
_tile_overlayer_lowered:
.L_overlay_start_2:
0x31: {  	(tag) =	ssettag $0x2  }
0x32: {  	s0 =	rddreg [dreg:$0x0];
	s2 =	stileid.u32  }
0x33: {  	s1 =	rddreg [dreg:$0x1];
	p0 =	sne.s32 s2, $0x0  }
0x34: {  	s3 =	rddreg [dreg:$0x2];
	[bflag:$0x3] =	sbarrier.arrive $0xFFFF;
	s2 =	simm.s32 @!p0 $0x1C01  }
0x35: {  	[timem:s3], [sflag:s2] =	dma.local @!p0 [hbm:s0], s1  }
0x36: {  	s0 =	simm.s32 @!p0 $0x1  }
0x37: {  	_ =	swait.ge @!p0 [sflag:s0], s1  }
0x38: {  	s1 =	ssub.s32 @!p0 $0x0, s1;
	[sflag:s0] =	ssyncset.done @!p0 $0x0  }
0x39: {  	[sflag:s0] =	ssyncadd.s32 @!p0 s1  }
0x3a: {  	[bflag:$0x3] =	sbarrier.arrive $0xFFFF  }
0x3b: {  	_ =	shalt  }

// kernel: kernel.15.cloned.1.call-start
scs
__scs_entry_jumppad:
0x0: {  	(pc) =	sbr.rel $0x88, $3  }
0x1: {  	(tag) =	ssettag $0x0;
	lr =	simm.s32 $0x1  }
0x2: {  	[smem:$0x3F96] =	sst lr;
	_ =	strace $0xD0000000  }
0x3: {  	_ = 	snop  }
0x4: {  	_ = 	snop  }
0x5: {  	_ = 	snop  }
0x6: {  	_ = 	snop  }
0x7: {  	_ = 	snop  }
__scs_overlays_trampoline_lowered:
0x8: {  	[smem:$0x3FA5] =	sst s0  }
0x9: {  	[smem:$0x3FA6] =	sst s1  }
0xa: {  	[smem:$0x3FA7] =	sst s2  }
0xb: {  	[smem:$0x3FA8] =	sst s3  }
0xc: {  	[smem:$0x3FA9] =	sst s4  }
0xd: {  	[smem:$0x3FAA] =	sst s5  }
0xe: {  	[smem:$0x3FAB] =	sst s6  }
0xf: {  	[smem:$0x3FAC] =	sst s7  }
0x10: {  	[smem:$0x3FAD] =	sst s8  }
0x11: {  	[smem:$0x3FAE] =	sst s9;
	s0 =	simm.s32 @!p0 $0x0  }
0x12: {  	s1 =	sld [smem:$0x3F94];
	s0 =	simm.s32 @p0 $0x1  }
0x13: {  	[smem:$0x3FAF] =	sst s0;
	s0 =	simm.s32 @!p1 $0x0  }
0x14: {  	s2 =	sld [smem:$0x3F93];
	s0 =	simm.s32 @p1 $0x1  }
0x15: {  	[smem:$0x3FB0] =	sst s0;
	s0 =	simm.s32 @!p2 $0x0  }
0x16: {  	s3 =	sld [smem:$0x3FDB];
	s0 =	simm.s32 @p2 $0x1  }
0x17: {  	s4 =	simm.s32 $0x1BF5;
	[smem:$0x3FB2] =	sst s0  }
0x18: {  	s0 =	sld [smem:$0x3F95];
	_ =	swait.ge [sflag:s4], $0x0  }
0x19: {  	s7 =	sld [smem:$0x3F96]  }
0x1a: {  	s8 =	sadd.s32 $0xFFFFE003, lr  }
0x1b: {  	s9 =	sadd.s32 $0xFFFFFEF7, lr;
	s5 =	simm.s32 $0xFFFFFFFF;
	p2 =	slt.u32 s8, $0xFFFFF086  }
0x1c: {  	p1 =	slt.u32 s9, $0xF7A;
	s5 =	simm.s32 @!p2 $0x0  }
0x1d: {  	s5 =	simm.s32 @p1 $0x1;
	p0 =	seq.s32 s7, s2  }
0x1e: {  	s7 =	smul.u32 @!p0 $0xF7A, s2;
	p2 =	seq.s32 @!p0 s5, $0x0  }
0x1f: {  	s9 =	smul.u32 $0xF7A, s1;
	s8 =	simm.s32 @!p0 $0x1BF5;
	p2 =	por !p2, p0  }
0x20: {  	[sflag:s8] =	ssyncset.s32 @!p0 $0xFFFFF086;
	s6 =	sadd.s32 @!p0 s3, s7;
	s7 =	simm.s32 @!p0 $0x108  }
0x21: {  	s3 =	sadd.s32 s3, s9;
	s6 =	sadd.s32 @!p0 $0x88, s6;
	s7 =	simm.s32 @p2 $0x1082  }
0x22: {  	[simem:s7], [sflag:s8] =	dma.local @!p0 [hbm:s6], $0xF7A  }
0x23: {  	s9 =	sor.u32 $0xD0000000, s2;
	s6 =	simm.s32 $0x108;
	_ =	swait.ge @!p0 [sflag:s8], $0x0  }
0x24: {  	s3 =	sadd.s32 $0x88, s3;
	s6 =	simm.s32 @!p1 $0x1082;
	[sflag:s4] =	ssyncset.s32 $0xFFFFF086  }
0x25: {  	[simem:s6], [sflag:s4] =	dma.local [hbm:s3], $0xF7A  }
0x26: {  	[smem:$0x3F96] =	sst s1;
	(tag) =	ssettag s2;
	_ =	strace s9  }
0x27: {  	s1 =	sld [smem:$0x3FA6]  }
0x28: {  	s2 =	sld [smem:$0x3FA7]  }
0x29: {  	s4 =	sld [smem:$0x3FA9]  }
0x2a: {  	p0 =	seq.s32 s5, $0x0;
	s5 =	sld [smem:$0x3FAA]  }
0x2b: {  	s6 =	sld [smem:$0x3FAB]  }
0x2c: {  	s7 =	sld [smem:$0x3FAC]  }
0x2d: {  	s3 =	simm.s32 $0x108;
	s8 =	sld [smem:$0x3FAD]  }
0x2e: {  	s3 =	simm.s32 @!p0 $0x1082;
	s9 =	sld [smem:$0x3FAE]  }
0x2f: {  	lr =	sadd.s32 s0, s3;
	s0 =	sld [smem:$0x3FA5]  }
0x30: {  	s3 =	sld [smem:$0x3FA8]  }
0x31: {  	[smem:$0x3FB1] =	sst s10  }
0x32: {  	s10 =	sld [smem:$0x3FAF];
	_ =	sdelay $0x3  }
0x33: {  	p0 =	seq.s32 s10, $0x1;
	s10 =	sld [smem:$0x3FB1];
	_ =	sdelay $0x3  }
0x34: {  	[smem:$0x3FB1] =	sst s10  }
0x35: {  	s10 =	sld [smem:$0x3FB0];
	_ =	sdelay $0x3  }
0x36: {  	p1 =	seq.s32 s10, $0x1;
	s10 =	sld [smem:$0x3FB1];
	_ =	sdelay $0x3  }
0x37: {  	[smem:$0x3FB1] =	sst s10  }
0x38: {  	s10 =	sld [smem:$0x3FB2]  }
0x39: {  	_ = 	snop;
	(pc) =	sbr.ind lr, $3  }
0x3a: {  	_ = 	snop  }
0x3b: {  	_ = 	snop  }
0x3c: {  	p2 =	seq.s32 s10, $0x1;
	s10 =	sld [smem:$0x3FB1]  }
0x3d: {  	_ =	shalt  }
0x3e: {  	_ =	shalt  }
0x3f: {  	_ =	shalt  }
0x40: {  	_ =	shalt  }
0x41: {  	_ =	shalt  }
0x42: {  	_ =	shalt  }
0x43: {  	_ =	shalt  }
0x44: {  	_ =	shalt  }
0x45: {  	_ =	shalt  }
0x46: {  	_ =	shalt  }
0x47: {  	_ =	shalt  }
0x48: {  	_ =	shalt  }
0x49: {  	_ =	shalt  }
0x4a: {  	_ =	shalt  }
0x4b: {  	_ =	shalt  }
0x4c: {  	_ =	shalt  }
0x4d: {  	_ =	shalt  }
0x4e: {  	_ =	shalt  }
0x4f: {  	_ =	shalt  }
0x50: {  	_ =	shalt  }
0x51: {  	_ =	shalt  }
0x52: {  	_ =	shalt  }
0x53: {  	_ =	shalt  }
0x54: {  	_ =	shalt  }
0x55: {  	_ =	shalt  }
0x56: {  	_ =	shalt  }
0x57: {  	_ =	shalt  }
0x58: {  	_ =	shalt  }
0x59: {  	_ =	shalt  }
0x5a: {  	_ =	shalt  }
0x5b: {  	_ =	shalt  }
0x5c: {  	_ =	shalt  }
0x5d: {  	_ =	shalt  }
0x5e: {  	_ =	shalt  }
0x5f: {  	_ =	shalt  }
0x60: {  	_ =	shalt  }
0x61: {  	_ =	shalt  }
0x62: {  	_ =	shalt  }
0x63: {  	_ =	shalt  }
0x64: {  	_ =	shalt  }
0x65: {  	_ =	shalt  }
0x66: {  	_ =	shalt  }
0x67: {  	_ =	shalt  }
0x68: {  	_ =	shalt  }
0x69: {  	_ =	shalt  }
0x6a: {  	_ =	shalt  }
0x6b: {  	_ =	shalt  }
0x6c: {  	_ =	shalt  }
0x6d: {  	_ =	shalt  }
0x6e: {  	_ =	shalt  }
0x6f: {  	_ =	shalt  }
0x70: {  	_ =	shalt  }
0x71: {  	_ =	shalt  }
0x72: {  	_ =	shalt  }
0x73: {  	_ =	shalt  }
0x74: {  	_ =	shalt  }
0x75: {  	_ =	shalt  }
0x76: {  	_ =	shalt  }
0x77: {  	_ =	shalt  }
0x78: {  	_ =	shalt  }
0x79: {  	_ =	shalt  }
0x7a: {  	_ =	shalt  }
0x7b: {  	_ =	shalt  }
0x7c: {  	_ =	shalt  }
0x7d: {  	_ =	shalt  }
0x7e: {  	_ =	shalt  }
0x7f: {  	_ =	shalt  }
0x80: {  	_ =	shalt  }
0x81: {  	_ =	shalt  }
0x82: {  	_ =	shalt  }
0x83: {  	_ =	shalt  }
0x84: {  	_ =	shalt  }
0x85: {  	_ =	shalt  }
0x86: {  	_ =	shalt  }
0x87: {  	_ =	shalt  }
.Lfunc_end0:
.L_simem_size_0:
called_computation.1_lowered:
.L_overlay_start_0:
0x88: {  	s2 =	sld [smem:$0x3FD9]  }
0x89: {  	s3 =	sld [smem:$0x3FFE];
	_ =	sdelay $0x1  }
0x8a: {  	s1 =	srdreg.scid  }
0x8b: {  	s0 =	sand.u32 $0x1, s1  }
0x8c: {  	s17 =	sshll.u32 s0, $0xA;
	s2 =	sadd.s32 s3, s2  }
0x8d: {  	s2 =	sadd.s32 s2, s17  }
0x8e: {  	[smem:$0x3FBD] =	sst s2  }
0x8f: {  	_ = 	snop  }
0x90: {  	s2 =	sld [smem:$0x3FD0];
	(tm) =	ssettm $0x1  }
0x91: {  	s18 =	sld [smem:$0x3FFB];
	_ =	sdelay $0x3  }
0x92: {  	_ =	strace s18  }
0x93: {  	s3 =	sld [smem:$0x3FFC];
	_ =	sdelay $0x3  }
0x94: {  	_ =	strace s3  }
0x95: {  	s3 =	sld [smem:$0x3FFD];
	_ =	sdelay $0x3  }
0x96: {  	_ =	strace s3  }
0x97: {  	_ =	strace $0x8FFFFFFF  }
0x98: {  	s19 =	sld [smem:$0x3FDB];
	_ =	sdelay $0x1  }
0x99: {  	s4 =	simm.s32 $_scs_section_size  }
0x9a: {  	s5 =	simm.s32 $_size__tile_overlayer_lowered;
	s6 =	simm.s32 $_tile_overlayer_lowered  }
0x9b: {  	s22 =	simm.s32 $0x1BFF;
	s21 =	sshll.u32 s6, $0x1;
	s3 =	sadd.s32 s4, s19  }
0x9c: {  	s7 =	simm.s32 $0x0;
	s20 =	sshll.u32 s5, $0x1;
	s5 =	sadd.s32 s21, s3  }
0x9d: {  	[timem:s7], [sflag:s22] =	dma.local [hbm:s5], s20  }
0x9e: {  	_ =	swait.ge [sflag:s22], s20  }
0x9f: {  	s4 =	ssub.s32 $0x0, s20;
	[sflag:s22] =	ssyncset.done $0x0  }
0xa0: {  	[sflag:s22] =	ssyncadd.s32 s4;
	_ =	sdelay $0x1  }
0xa1: {  	s23 =	simm.s32 $0x1B8B  }
0xa2: {  	_ =	swait.ge [sflag:s23], $0x1  }
0xa3: {  	[sflag:s23] =	ssyncset.done $0x0  }
0xa4: {  	s25 =	simm.s32 $0x1B8E;
	s24 =	sld [smem:$0x3FFE];
	[sflag:s23] =	ssyncadd.s32 $0xFFFFFFFF  }
0xa5: {  	s26 =	simm.s32 $execute0_lowered;
	[smem:$0x3FD2] =	sst s25  }
0xa6: {  	s5 =	sshll.u32 s26, $0x1;
	_ =	strace $0x80000049;
	[dreg:$0x1] =	wrdreg $0xFFFFFFFF  }
0xa7: {  	s28 =	simm.s32 $_size_execute0_lowered;
	s3 =	sadd.s32 s3, s5;
	[dreg:$0x0] =	wrdreg $0x0  }
0xa8: {  	s5 =	sshll.u32 s28, $0x1;
	[dreg:$0x2] =	wrdreg s3  }
0xa9: {  	[dreg:$0x3] =	wrdreg s5  }
0xaa: {  	[dreg:$0x4] =	wrdreg $0xC0  }
0xab: {  	_ =	task [dreg:s7], $0x5FFFF  }
0xac: {  	[dreg:$0x1] =	wrdreg $0xFFFFFFFF  }
0xad: {  	[dreg:$0x0] =	wrdreg $0x60  }
0xae: {  	[dreg:$0x2] =	wrdreg s24  }
0xaf: {  	[dreg:$0x3] =	wrdreg s2  }
0xb0: {  	[dreg:$0x4] =	wrdreg $0x8F000  }
0xb1: {  	[dreg:$0x5] =	wrdreg $0x9  }
0xb2: {  	_ =	task.clear_ibuf [dreg:s7], $0x6FFFF;
	_ =	strace $0x90000049  }
0xb3: {  	s29 =	simm.s32 $0x9;
	_ =	strace $0x8000004B  }
0xb4: {  	_ =	swait.ge [sflag:s29], $0x1  }
0xb5: {  	[sflag:s29] =	ssyncadd.s32 $0xFFFFFFFF  }
0xb6: {  	_ =	strace $0x9000004B  }
0xb7: {  	_ =	sfence  }
0xb8: {  	s30 =	sld [smem:$0x0];
	_ =	sdelay $0x2  }
0xb9: {  	s31 =	sshll.u32 s1, $0xD;
	s1 =	sshrl.u32 s1, $0x2  }
0xba: {  	s3 =	sand.u32 $0x4000, s31;
	s1 =	sadd.s32 s1, s30  }
0xbb: {  	s0 =	sor.u32 s3, s0;
	s1 =	sshll.u32 s1, $0x11  }
0xbc: {  	s0 =	sor.u32 s1, s0  }
0xbd: {  	s0 =	sadd.s32 $0x8F2B, s0  }
0xbe: {  	[sflag:s0] =	ssyncadd.remote.s32 $0x1  }
0xbf: {  	_ =	sfence.sel $0xFFFF  }
0xc0: {  	[dreg:$0x0] =	wrdreg $0xFFFFFFFF;
	(pc) =	sbr.abs _section_cstart, $3  }
0xc1: {  	[dreg:$0x1] =	wrdreg $0xFFFFFFFF  }
0xc2: {  	_ =	task.clear_ibuf [dreg:s7], $0x2FFFF;
	_ =	strace $0x9FFFFFFF  }
0xc3: {  	(tm) =	ssettm $0x7FFFFFFF  }
tec
execute0_lowered:
.L_overlay_start_1:
0x0: {  	(tag) =	ssettag $0x1  }
0x1: {  	s5 =	rddreg [dreg:$0x0]  }
0x2: {  	s6 =	rddreg [dreg:$0x1]  }
0x3: {  	s2 =	rddreg [dreg:$0x2]  }
0x4: {  	s0 =	rddreg [dreg:$0x3]  }
0x5: {  	s4 =	srdreg.scid;
	s1 =	stileid.u32;
	s3 =	simm.s32 $0x0  }
0x6: {  	s14 =	simm.s32 $0x1;
	s15 =	simm.s32 $0x0;
	s7 =	sand.u32 $0x1, s4  }
0x7: {  	s8 =	smul.u32 $0x27000, s1;
	[smem:$0x7FF] =	sst s3;
	s4 =	sadd.s32 $0x43200, s5  }
0x8: {  	s12 =	sadd.s32 $0x1C000, s5;
	s31 =	sshll.u32 s1, $0x6;
	s9 =	smul.u32 $0x271000, s7  }
0x9: {  	_ =	strace $0x8000004A;
	s10 =	sshll.u32 s7, $0x4;
	s11 =	ssub.s32 $0x2, s7  }
0xa: {  	p0 =	seq.s32 s7, $0x0;
	s10 =	sor.u32 s1, s10;
	s29 =	sshrl.u32 s11, $0x1  }
0xb: {  	s30 =	sshrl.u32 s8, $0x1;
	s12 =	smov.u32 @p0 s4;
	s9 =	sadd.s32 s8, s9  }
0xc: {  	s10 =	smul.u32 $0x9E0, s10;
	s11 =	ssub.s32 s11, s29;
	s13 =	sadd.s32 s30, s2  }
0xd: {  	s8 =	sshrl.u32 s8, $0x4;
	s9 =	sshrl.u32 s9, $0x4;
	s7 =	smax.u32 s11, $0x1  }
0xe: {  	s8 =	sadd.s32 s12, s8;
	s11 =	sshrl.u32 s13, $0x3;
	s12 =	simm.s32 $0x80  }
0xf: {  	s13 =	simm.s32 $0x4F00;
	s9 =	sadd.s32 s9, s5;
	s5 =	sadd.s32 s6, s10  }
0x10: {  	s10 =	sor.u32 $0x1C02, s31;
	s6 =	sadd.s32 $0xDF600, s9;
	s9 =	simm.s32 $0x2  }
.LBB2_1:
0x11: {  	[tilespmem:s3], [sflag:$0x2] =	stream.linear.gather [hbm4b:s5+s3], $0x4F00, $0x38;
	[tilespmem:$0x1C800] =	vst v63  }
0x12: {  	_ =	swait.ge [sflag:s9], $0x4F00  }
0x13: {  	[sflag:s9] =	ssyncset.done $0x0  }
0x14: {  	[sflag:s9] =	ssyncadd.s32 $0xFFFFB100  }
0x15: {  	[spmem:s11], [sflag:s10] =	dma.local [hbm:s8], $0x2800  }
0x16: {  	_ =	swait.ge [sflag:s9], $0x2800  }
0x17: {  	[sflag:s9] =	ssyncset.done $0x0  }
0x18: {  	[sflag:s9] =	ssyncadd.s32 $0xFFFFD800  }
0x19: {  	s16 =	simm.s32 $0x0;
	[bflag:$0x0] =	sbarrier.arrive $0xFFFF  }
0x1a: {  	[tilespmem:s13], [sflag:$0x1] =	stream.indirect.gather [hbm4b:s4+s12], $0x80, s16, s12, $0xb8;
	[tilespmem:$0x1C800] =	vst v63  }
0x1b: {  	_ =	swait.ge [sflag:s14], $0x4000  }
0x1c: {  	[sflag:s14] =	ssyncset.done $0x0  }
0x1d: {  	s31 =	simm.s32 $0x80;
	[sflag:s14] =	ssyncadd.s32 $0xFFFFC000  }
0x1e: {  	[spmem:s2] =	stream.indirect.scatter.add.bf16 [tilespmem:s13], [sflag:$0x2], $0x80, s31, s12, $0xb8;
	[tilespmem:$0x1C800] =	vst v63  }
0x1f: {  	_ =	swait.ge [sflag:s9], $0x4000  }
0x20: {  	s17 =	simm.s32 $0x800;
	s16 =	simm.s32 $0x400;
	[sflag:s9] =	ssyncset.done $0x0  }
.LBB2_2:
0x21: {  	s18 =	sshra.s32 s16, $0x2  }
0x22: {  	[sflag:s9] =	ssyncadd.s32 $0xFFFFC000;
	s16 =	smov.u32 s17;
	s19 =	sadd.s32 $0x400, s17  }
0x23: {  	[tilespmem:s13], [sflag:$0x1] =	stream.indirect.gather [hbm4b:s4+s12], $0x80, s18, s12, $0xb8;
	[tilespmem:$0x1C800] =	vst v63  }
0x24: {  	p0 =	sne.s32 s17, $0x13800;
	_ =	swait.ge [sflag:s14], $0x4000  }
.Ltmp0:
0x25: {  	[sflag:s14] =	ssyncset.done $0x0;
	(pc) =	sbr.rel @p0 .LBB2_2-.Ltmp0, $4  }
0x26: {  	s17 =	sadd.s32 $0x80, s18;
	[sflag:s14] =	ssyncadd.s32 $0xFFFFC000  }
0x27: {  	[spmem:s2] =	stream.indirect.scatter.add.bf16 [tilespmem:s13], [sflag:$0x2], $0x80, s17, s12, $0xb8;
	[tilespmem:$0x1C800] =	vst v63  }
0x28: {  	_ =	swait.ge [sflag:s9], $0x4000  }
0x29: {  	s17 =	smov.u32 s19;
	[sflag:s9] =	ssyncset.done $0x0  }
0x2a: {  	s16 =	sshra.s32 s16, $0x2;
	[sflag:s9] =	ssyncadd.s32 $0xFFFFC000  }
0x2b: {  	[tilespmem:s13], [sflag:$0x1] =	stream.indirect.gather [hbm4b:s4+s12], $0x80, s16, s12, $0xb8;
	[tilespmem:$0x1C800] =	vst v63  }
0x2c: {  	_ =	swait.ge [sflag:s14], $0x4000  }
0x2d: {  	[sflag:s14] =	ssyncset.done $0x0  }
0x2e: {  	s16 =	sadd.s32 $0x80, s16;
	[sflag:s14] =	ssyncadd.s32 $0xFFFFC000  }
0x2f: {  	[spmem:s2] =	stream.indirect.scatter.add.bf16 [tilespmem:s13], [sflag:$0x2], $0x80, s16, s12, $0xb8;
	[tilespmem:$0x1C800] =	vst v63  }
0x30: {  	_ =	swait.ge [sflag:s9], $0x4000  }
0x31: {  	s15 =	sadd.s32 $0x1, s15;
	[sflag:s9] =	ssyncset.done $0x0  }
0x32: {  	p0 =	sne.s32 s15, s7;
	[sflag:s9] =	ssyncadd.s32 $0xFFFFC000  }
.Ltmp1:
0x33: {  	[bflag:$0x0] =	sbarrier.arrive $0xFFFF;
	(pc) =	sbr.rel @p0 .LBB2_1-.Ltmp1, $4  }
0x34: {  	[hbm:s6], [sflag:s10] =	dma.local [spmem:s11], $0x2800  }
0x35: {  	_ =	swait.ge [sflag:s9], $0x2800  }
0x36: {  	[sflag:s9] =	ssyncset.done $0x0  }
0x37: {  	[sflag:s9] =	ssyncadd.s32 $0xFFFFD800  }
0x38: {  	_ =	sfence.sel $0x180000  }
0x39: {  	[bflag:$0x0] =	sbarrier.arrive $0xFFFF  }
0x3a: {  	p0 =	sne.s32 s1, $0x0;
	_ =	strace $0x9000004A  }
0x3b: {  	s0 =	sadd.s32 @!p0 $0x100000, s0;
	[bflag:$0x2] =	sbarrier.arrive $0xFFFF  }
0x3c: {  	[sflag:s0] =	ssyncadd.tile.s32 @!p0 $0x1;
	_ =	shalt  }
.Lfunc_end2:
_tile_overlayer_lowered:
.L_overlay_start_2:
0x3d: {  	(tag) =	ssettag $0x2  }
0x3e: {  	s0 =	rddreg [dreg:$0x0];
	s2 =	stileid.u32  }
0x3f: {  	s1 =	rddreg [dreg:$0x1];
	p0 =	sne.s32 s2, $0x0  }
0x40: {  	s3 =	rddreg [dreg:$0x2];
	[bflag:$0x3] =	sbarrier.arrive $0xFFFF;
	s2 =	simm.s32 @!p0 $0x1C02  }
0x41: {  	[timem:s3], [sflag:s2] =	dma.local @!p0 [hbm:s0], s1  }
0x42: {  	s0 =	simm.s32 @!p0 $0x2  }
0x43: {  	_ =	swait.ge @!p0 [sflag:s0], s1  }
0x44: {  	s1 =	ssub.s32 @!p0 $0x0, s1;
	[sflag:s0] =	ssyncset.done @!p0 $0x0  }
0x45: {  	[sflag:s0] =	ssyncadd.s32 @!p0 s1  }
0x46: {  	[bflag:$0x3] =	sbarrier.arrive $0xFFFF  }
0x47: {  	_ =	shalt  }

// kernel: kernel.18.cloned.1.call-start
scs
__scs_entry_jumppad:
0x0: {  	(pc) =	sbr.rel $0x88, $3  }
0x1: {  	(tag) =	ssettag $0x0;
	lr =	simm.s32 $0x1  }
0x2: {  	[smem:$0x3F96] =	sst lr;
	_ =	strace $0xD0000000  }
0x3: {  	_ = 	snop  }
0x4: {  	_ = 	snop  }
0x5: {  	_ = 	snop  }
0x6: {  	_ = 	snop  }
0x7: {  	_ = 	snop  }
__scs_overlays_trampoline_lowered:
0x8: {  	[smem:$0x3FA5] =	sst s0  }
0x9: {  	[smem:$0x3FA6] =	sst s1  }
0xa: {  	[smem:$0x3FA7] =	sst s2  }
0xb: {  	[smem:$0x3FA8] =	sst s3  }
0xc: {  	[smem:$0x3FA9] =	sst s4  }
0xd: {  	[smem:$0x3FAA] =	sst s5  }
0xe: {  	[smem:$0x3FAB] =	sst s6  }
0xf: {  	[smem:$0x3FAC] =	sst s7  }
0x10: {  	[smem:$0x3FAD] =	sst s8  }
0x11: {  	[smem:$0x3FAE] =	sst s9;
	s0 =	simm.s32 @!p0 $0x0  }
0x12: {  	s1 =	sld [smem:$0x3F94];
	s0 =	simm.s32 @p0 $0x1  }
0x13: {  	[smem:$0x3FAF] =	sst s0;
	s0 =	simm.s32 @!p1 $0x0  }
0x14: {  	s2 =	sld [smem:$0x3F93];
	s0 =	simm.s32 @p1 $0x1  }
0x15: {  	[smem:$0x3FB0] =	sst s0;
	s0 =	simm.s32 @!p2 $0x0  }
0x16: {  	s3 =	sld [smem:$0x3FDB];
	s0 =	simm.s32 @p2 $0x1  }
0x17: {  	s4 =	simm.s32 $0x1BF5;
	[smem:$0x3FB2] =	sst s0  }
0x18: {  	s0 =	sld [smem:$0x3F95];
	_ =	swait.ge [sflag:s4], $0x0  }
0x19: {  	s7 =	sld [smem:$0x3F96]  }
0x1a: {  	s8 =	sadd.s32 $0xFFFFE003, lr  }
0x1b: {  	s9 =	sadd.s32 $0xFFFFFEF7, lr;
	s5 =	simm.s32 $0xFFFFFFFF;
	p2 =	slt.u32 s8, $0xFFFFF086  }
0x1c: {  	p1 =	slt.u32 s9, $0xF7A;
	s5 =	simm.s32 @!p2 $0x0  }
0x1d: {  	s5 =	simm.s32 @p1 $0x1;
	p0 =	seq.s32 s7, s2  }
0x1e: {  	s7 =	smul.u32 @!p0 $0xF7A, s2;
	p2 =	seq.s32 @!p0 s5, $0x0  }
0x1f: {  	s9 =	smul.u32 $0xF7A, s1;
	s8 =	simm.s32 @!p0 $0x1BF5;
	p2 =	por !p2, p0  }
0x20: {  	[sflag:s8] =	ssyncset.s32 @!p0 $0xFFFFF086;
	s6 =	sadd.s32 @!p0 s3, s7;
	s7 =	simm.s32 @!p0 $0x108  }
0x21: {  	s3 =	sadd.s32 s3, s9;
	s6 =	sadd.s32 @!p0 $0x88, s6;
	s7 =	simm.s32 @p2 $0x1082  }
0x22: {  	[simem:s7], [sflag:s8] =	dma.local @!p0 [hbm:s6], $0xF7A  }
0x23: {  	s9 =	sor.u32 $0xD0000000, s2;
	s6 =	simm.s32 $0x108;
	_ =	swait.ge @!p0 [sflag:s8], $0x0  }
0x24: {  	s3 =	sadd.s32 $0x88, s3;
	s6 =	simm.s32 @!p1 $0x1082;
	[sflag:s4] =	ssyncset.s32 $0xFFFFF086  }
0x25: {  	[simem:s6], [sflag:s4] =	dma.local [hbm:s3], $0xF7A  }
0x26: {  	[smem:$0x3F96] =	sst s1;
	(tag) =	ssettag s2;
	_ =	strace s9  }
0x27: {  	s1 =	sld [smem:$0x3FA6]  }
0x28: {  	s2 =	sld [smem:$0x3FA7]  }
0x29: {  	s4 =	sld [smem:$0x3FA9]  }
0x2a: {  	p0 =	seq.s32 s5, $0x0;
	s5 =	sld [smem:$0x3FAA]  }
0x2b: {  	s6 =	sld [smem:$0x3FAB]  }
0x2c: {  	s7 =	sld [smem:$0x3FAC]  }
0x2d: {  	s3 =	simm.s32 $0x108;
	s8 =	sld [smem:$0x3FAD]  }
0x2e: {  	s3 =	simm.s32 @!p0 $0x1082;
	s9 =	sld [smem:$0x3FAE]  }
0x2f: {  	lr =	sadd.s32 s0, s3;
	s0 =	sld [smem:$0x3FA5]  }
0x30: {  	s3 =	sld [smem:$0x3FA8]  }
0x31: {  	[smem:$0x3FB1] =	sst s10  }
0x32: {  	s10 =	sld [smem:$0x3FAF];
	_ =	sdelay $0x3  }
0x33: {  	p0 =	seq.s32 s10, $0x1;
	s10 =	sld [smem:$0x3FB1];
	_ =	sdelay $0x3  }
0x34: {  	[smem:$0x3FB1] =	sst s10  }
0x35: {  	s10 =	sld [smem:$0x3FB0];
	_ =	sdelay $0x3  }
0x36: {  	p1 =	seq.s32 s10, $0x1;
	s10 =	sld [smem:$0x3FB1];
	_ =	sdelay $0x3  }
0x37: {  	[smem:$0x3FB1] =	sst s10  }
0x38: {  	s10 =	sld [smem:$0x3FB2]  }
0x39: {  	_ = 	snop;
	(pc) =	sbr.ind lr, $3  }
0x3a: {  	_ = 	snop  }
0x3b: {  	_ = 	snop  }
0x3c: {  	p2 =	seq.s32 s10, $0x1;
	s10 =	sld [smem:$0x3FB1]  }
0x3d: {  	_ =	shalt  }
0x3e: {  	_ =	shalt  }
0x3f: {  	_ =	shalt  }
0x40: {  	_ =	shalt  }
0x41: {  	_ =	shalt  }
0x42: {  	_ =	shalt  }
0x43: {  	_ =	shalt  }
0x44: {  	_ =	shalt  }
0x45: {  	_ =	shalt  }
0x46: {  	_ =	shalt  }
0x47: {  	_ =	shalt  }
0x48: {  	_ =	shalt  }
0x49: {  	_ =	shalt  }
0x4a: {  	_ =	shalt  }
0x4b: {  	_ =	shalt  }
0x4c: {  	_ =	shalt  }
0x4d: {  	_ =	shalt  }
0x4e: {  	_ =	shalt  }
0x4f: {  	_ =	shalt  }
0x50: {  	_ =	shalt  }
0x51: {  	_ =	shalt  }
0x52: {  	_ =	shalt  }
0x53: {  	_ =	shalt  }
0x54: {  	_ =	shalt  }
0x55: {  	_ =	shalt  }
0x56: {  	_ =	shalt  }
0x57: {  	_ =	shalt  }
0x58: {  	_ =	shalt  }
0x59: {  	_ =	shalt  }
0x5a: {  	_ =	shalt  }
0x5b: {  	_ =	shalt  }
0x5c: {  	_ =	shalt  }
0x5d: {  	_ =	shalt  }
0x5e: {  	_ =	shalt  }
0x5f: {  	_ =	shalt  }
0x60: {  	_ =	shalt  }
0x61: {  	_ =	shalt  }
0x62: {  	_ =	shalt  }
0x63: {  	_ =	shalt  }
0x64: {  	_ =	shalt  }
0x65: {  	_ =	shalt  }
0x66: {  	_ =	shalt  }
0x67: {  	_ =	shalt  }
0x68: {  	_ =	shalt  }
0x69: {  	_ =	shalt  }
0x6a: {  	_ =	shalt  }
0x6b: {  	_ =	shalt  }
0x6c: {  	_ =	shalt  }
0x6d: {  	_ =	shalt  }
0x6e: {  	_ =	shalt  }
0x6f: {  	_ =	shalt  }
0x70: {  	_ =	shalt  }
0x71: {  	_ =	shalt  }
0x72: {  	_ =	shalt  }
0x73: {  	_ =	shalt  }
0x74: {  	_ =	shalt  }
0x75: {  	_ =	shalt  }
0x76: {  	_ =	shalt  }
0x77: {  	_ =	shalt  }
0x78: {  	_ =	shalt  }
0x79: {  	_ =	shalt  }
0x7a: {  	_ =	shalt  }
0x7b: {  	_ =	shalt  }
0x7c: {  	_ =	shalt  }
0x7d: {  	_ =	shalt  }
0x7e: {  	_ =	shalt  }
0x7f: {  	_ =	shalt  }
0x80: {  	_ =	shalt  }
0x81: {  	_ =	shalt  }
0x82: {  	_ =	shalt  }
0x83: {  	_ =	shalt  }
0x84: {  	_ =	shalt  }
0x85: {  	_ =	shalt  }
0x86: {  	_ =	shalt  }
0x87: {  	_ =	shalt  }
.Lfunc_end0:
.L_simem_size_0:
called_computation.2_lowered:
.L_overlay_start_0:
0x88: {  	s2 =	sld [smem:$0x3FD9]  }
0x89: {  	s3 =	sld [smem:$0x3FFE];
	_ =	sdelay $0x1  }
0x8a: {  	s1 =	srdreg.scid  }
0x8b: {  	s0 =	sand.u32 $0x1, s1  }
0x8c: {  	s17 =	sshll.u32 s0, $0xA;
	s2 =	sadd.s32 s3, s2  }
0x8d: {  	s2 =	sadd.s32 s2, s17  }
0x8e: {  	[smem:$0x3FBD] =	sst s2  }
0x8f: {  	_ = 	snop  }
0x90: {  	s2 =	sld [smem:$0x3FD0];
	(tm) =	ssettm $0x1  }
0x91: {  	s18 =	sld [smem:$0x3FFB];
	_ =	sdelay $0x3  }
0x92: {  	_ =	strace s18  }
0x93: {  	s3 =	sld [smem:$0x3FFC];
	_ =	sdelay $0x3  }
0x94: {  	_ =	strace s3  }
0x95: {  	s3 =	sld [smem:$0x3FFD];
	_ =	sdelay $0x3  }
0x96: {  	_ =	strace s3  }
0x97: {  	_ =	strace $0x8FFFFFFF  }
0x98: {  	s19 =	sld [smem:$0x3FDB];
	_ =	sdelay $0x1  }
0x99: {  	s4 =	simm.s32 $_scs_section_size  }
0x9a: {  	s5 =	simm.s32 $_size__tile_overlayer_lowered;
	s6 =	simm.s32 $_tile_overlayer_lowered  }
0x9b: {  	s22 =	simm.s32 $0x1BFF;
	s21 =	sshll.u32 s6, $0x1;
	s3 =	sadd.s32 s4, s19  }
0x9c: {  	s7 =	simm.s32 $0x0;
	s20 =	sshll.u32 s5, $0x1;
	s5 =	sadd.s32 s21, s3  }
0x9d: {  	[timem:s7], [sflag:s22] =	dma.local [hbm:s5], s20  }
0x9e: {  	_ =	swait.ge [sflag:s22], s20  }
0x9f: {  	s4 =	ssub.s32 $0x0, s20;
	[sflag:s22] =	ssyncset.done $0x0  }
0xa0: {  	[sflag:s22] =	ssyncadd.s32 s4;
	_ =	sdelay $0x1  }
0xa1: {  	s23 =	simm.s32 $0x1B8B  }
0xa2: {  	_ =	swait.ge [sflag:s23], $0x1  }
0xa3: {  	[sflag:s23] =	ssyncset.done $0x0  }
0xa4: {  	s25 =	simm.s32 $0x1B8E;
	s24 =	sld [smem:$0x3FFE];
	[sflag:s23] =	ssyncadd.s32 $0xFFFFFFFF  }
0xa5: {  	s26 =	simm.s32 $execute0_lowered;
	[smem:$0x3FD2] =	sst s25  }
0xa6: {  	s5 =	sshll.u32 s26, $0x1;
	_ =	strace $0x8000004C;
	[dreg:$0x1] =	wrdreg $0xFFFFFFFF  }
0xa7: {  	s28 =	simm.s32 $_size_execute0_lowered;
	s3 =	sadd.s32 s3, s5;
	[dreg:$0x0] =	wrdreg $0x0  }
0xa8: {  	s5 =	sshll.u32 s28, $0x1;
	[dreg:$0x2] =	wrdreg s3  }
0xa9: {  	[dreg:$0x3] =	wrdreg s5  }
0xaa: {  	[dreg:$0x4] =	wrdreg $0xC0  }
0xab: {  	_ =	task [dreg:s7], $0x5FFFF  }
0xac: {  	[dreg:$0x1] =	wrdreg $0xFFFFFFFF  }
0xad: {  	[dreg:$0x0] =	wrdreg $0x60  }
0xae: {  	[dreg:$0x2] =	wrdreg s24  }
0xaf: {  	[dreg:$0x3] =	wrdreg s2  }
0xb0: {  	[dreg:$0x4] =	wrdreg $0x8F000  }
0xb1: {  	[dreg:$0x5] =	wrdreg $0x9  }
0xb2: {  	_ =	task.clear_ibuf [dreg:s7], $0x6FFFF;
	_ =	strace $0x9000004C  }
0xb3: {  	s29 =	simm.s32 $0x9;
	_ =	strace $0x8000004E  }
0xb4: {  	_ =	swait.ge [sflag:s29], $0x1  }
0xb5: {  	[sflag:s29] =	ssyncadd.s32 $0xFFFFFFFF  }
0xb6: {  	_ =	strace $0x9000004E  }
0xb7: {  	_ =	sfence  }
0xb8: {  	s30 =	sld [smem:$0x0];
	_ =	sdelay $0x2  }
0xb9: {  	s31 =	sshll.u32 s1, $0xD;
	s1 =	sshrl.u32 s1, $0x2  }
0xba: {  	s3 =	sand.u32 $0x4000, s31;
	s1 =	sadd.s32 s1, s30  }
0xbb: {  	s0 =	sor.u32 s3, s0;
	s1 =	sshll.u32 s1, $0x11  }
0xbc: {  	s0 =	sor.u32 s1, s0  }
0xbd: {  	s0 =	sadd.s32 $0x8F2B, s0  }
0xbe: {  	[sflag:s0] =	ssyncadd.remote.s32 $0x1  }
0xbf: {  	_ =	sfence.sel $0xFFFF  }
0xc0: {  	[dreg:$0x0] =	wrdreg $0xFFFFFFFF;
	(pc) =	sbr.abs _section_cstart, $3  }
0xc1: {  	[dreg:$0x1] =	wrdreg $0xFFFFFFFF  }
0xc2: {  	_ =	task.clear_ibuf [dreg:s7], $0x2FFFF;
	_ =	strace $0x9FFFFFFF  }
0xc3: {  	(tm) =	ssettm $0x7FFFFFFF  }
tec
execute0_lowered:
.L_overlay_start_1:
0x0: {  	(tag) =	ssettag $0x1  }
0x1: {  	s5 =	rddreg [dreg:$0x0]  }
0x2: {  	s6 =	rddreg [dreg:$0x1]  }
0x3: {  	s2 =	rddreg [dreg:$0x2]  }
0x4: {  	s0 =	rddreg [dreg:$0x3]  }
0x5: {  	s4 =	srdreg.scid;
	s1 =	stileid.u32;
	s3 =	simm.s32 $0x0  }
0x6: {  	s14 =	simm.s32 $0x1;
	s15 =	simm.s32 $0x0;
	s7 =	sand.u32 $0x1, s4  }
0x7: {  	s8 =	smul.u32 $0x27000, s1;
	[smem:$0x7FF] =	sst s3;
	s4 =	sadd.s32 $0x43200, s5  }
0x8: {  	s12 =	sadd.s32 $0x1C000, s5;
	s31 =	sshll.u32 s1, $0x6;
	s9 =	smul.u32 $0x271000, s7  }
0x9: {  	_ =	strace $0x8000004D;
	s10 =	sshll.u32 s7, $0x4;
	s11 =	ssub.s32 $0x2, s7  }
0xa: {  	p0 =	seq.s32 s7, $0x0;
	s10 =	sor.u32 s1, s10;
	s29 =	sshrl.u32 s11, $0x1  }
0xb: {  	s30 =	sshrl.u32 s8, $0x1;
	s12 =	smov.u32 @p0 s4;
	s9 =	sadd.s32 s8, s9  }
0xc: {  	s10 =	smul.u32 $0x9E0, s10;
	s11 =	ssub.s32 s11, s29;
	s13 =	sadd.s32 s30, s2  }
0xd: {  	s8 =	sshrl.u32 s8, $0x4;
	s9 =	sshrl.u32 s9, $0x4;
	s7 =	smax.u32 s11, $0x1  }
0xe: {  	s8 =	sadd.s32 s12, s8;
	s11 =	sshrl.u32 s13, $0x3;
	s12 =	simm.s32 $0x80  }
0xf: {  	s13 =	simm.s32 $0x4F00;
	s9 =	sadd.s32 s9, s5;
	s5 =	sadd.s32 s6, s10  }
0x10: {  	s10 =	sor.u32 $0x1C02, s31;
	s6 =	sadd.s32 $0xDF600, s9;
	s9 =	simm.s32 $0x2  }
.LBB2_1:
0x11: {  	[tilespmem:s3], [sflag:$0x2] =	stream.linear.gather [hbm4b:s5+s3], $0x4F00, $0x38;
	[tilespmem:$0x1C800] =	vst v63  }
0x12: {  	_ =	swait.ge [sflag:s9], $0x4F00  }
0x13: {  	[sflag:s9] =	ssyncset.done $0x0  }
0x14: {  	[sflag:s9] =	ssyncadd.s32 $0xFFFFB100  }
0x15: {  	[spmem:s11], [sflag:s10] =	dma.local [hbm:s8], $0x2800  }
0x16: {  	_ =	swait.ge [sflag:s9], $0x2800  }
0x17: {  	[sflag:s9] =	ssyncset.done $0x0  }
0x18: {  	[sflag:s9] =	ssyncadd.s32 $0xFFFFD800  }
0x19: {  	s16 =	simm.s32 $0x0;
	[bflag:$0x0] =	sbarrier.arrive $0xFFFF  }
0x1a: {  	[tilespmem:s13], [sflag:$0x1] =	stream.indirect.gather [hbm4b:s4+s12], $0x80, s16, s12, $0xb8;
	[tilespmem:$0x1C800] =	vst v63  }
0x1b: {  	_ =	swait.ge [sflag:s14], $0x4000  }
0x1c: {  	[sflag:s14] =	ssyncset.done $0x0  }
0x1d: {  	s31 =	simm.s32 $0x80;
	[sflag:s14] =	ssyncadd.s32 $0xFFFFC000  }
0x1e: {  	[spmem:s2] =	stream.indirect.scatter.add.bf16 [tilespmem:s13], [sflag:$0x2], $0x80, s31, s12, $0xb8;
	[tilespmem:$0x1C800] =	vst v63  }
0x1f: {  	_ =	swait.ge [sflag:s9], $0x4000  }
0x20: {  	s17 =	simm.s32 $0x800;
	s16 =	simm.s32 $0x400;
	[sflag:s9] =	ssyncset.done $0x0  }
.LBB2_2:
0x21: {  	s18 =	sshra.s32 s16, $0x2  }
0x22: {  	[sflag:s9] =	ssyncadd.s32 $0xFFFFC000;
	s16 =	smov.u32 s17;
	s19 =	sadd.s32 $0x400, s17  }
0x23: {  	[tilespmem:s13], [sflag:$0x1] =	stream.indirect.gather [hbm4b:s4+s12], $0x80, s18, s12, $0xb8;
	[tilespmem:$0x1C800] =	vst v63  }
0x24: {  	p0 =	sne.s32 s17, $0x13800;
	_ =	swait.ge [sflag:s14], $0x4000  }
.Ltmp0:
0x25: {  	[sflag:s14] =	ssyncset.done $0x0;
	(pc) =	sbr.rel @p0 .LBB2_2-.Ltmp0, $4  }
0x26: {  	s17 =	sadd.s32 $0x80, s18;
	[sflag:s14] =	ssyncadd.s32 $0xFFFFC000  }
0x27: {  	[spmem:s2] =	stream.indirect.scatter.add.bf16 [tilespmem:s13], [sflag:$0x2], $0x80, s17, s12, $0xb8;
	[tilespmem:$0x1C800] =	vst v63  }
0x28: {  	_ =	swait.ge [sflag:s9], $0x4000  }
0x29: {  	s17 =	smov.u32 s19;
	[sflag:s9] =	ssyncset.done $0x0  }
0x2a: {  	s16 =	sshra.s32 s16, $0x2;
	[sflag:s9] =	ssyncadd.s32 $0xFFFFC000  }
0x2b: {  	[tilespmem:s13], [sflag:$0x1] =	stream.indirect.gather [hbm4b:s4+s12], $0x80, s16, s12, $0xb8;
	[tilespmem:$0x1C800] =	vst v63  }
0x2c: {  	_ =	swait.ge [sflag:s14], $0x4000  }
0x2d: {  	[sflag:s14] =	ssyncset.done $0x0  }
0x2e: {  	s16 =	sadd.s32 $0x80, s16;
	[sflag:s14] =	ssyncadd.s32 $0xFFFFC000  }
0x2f: {  	[spmem:s2] =	stream.indirect.scatter.add.bf16 [tilespmem:s13], [sflag:$0x2], $0x80, s16, s12, $0xb8;
	[tilespmem:$0x1C800] =	vst v63  }
0x30: {  	_ =	swait.ge [sflag:s9], $0x4000  }
0x31: {  	s15 =	sadd.s32 $0x1, s15;
	[sflag:s9] =	ssyncset.done $0x0  }
0x32: {  	p0 =	sne.s32 s15, s7;
	[sflag:s9] =	ssyncadd.s32 $0xFFFFC000  }
.Ltmp1:
0x33: {  	[bflag:$0x0] =	sbarrier.arrive $0xFFFF;
	(pc) =	sbr.rel @p0 .LBB2_1-.Ltmp1, $4  }
0x34: {  	[hbm:s6], [sflag:s10] =	dma.local [spmem:s11], $0x2800  }
0x35: {  	_ =	swait.ge [sflag:s9], $0x2800  }
0x36: {  	[sflag:s9] =	ssyncset.done $0x0  }
0x37: {  	[sflag:s9] =	ssyncadd.s32 $0xFFFFD800  }
0x38: {  	_ =	sfence.sel $0x180000  }
0x39: {  	[bflag:$0x0] =	sbarrier.arrive $0xFFFF  }
0x3a: {  	p0 =	sne.s32 s1, $0x0;
	_ =	strace $0x9000004D  }
0x3b: {  	s0 =	sadd.s32 @!p0 $0x100000, s0;
	[bflag:$0x2] =	sbarrier.arrive $0xFFFF  }
0x3c: {  	[sflag:s0] =	ssyncadd.tile.s32 @!p0 $0x1;
	_ =	shalt  }
.Lfunc_end2:
_tile_overlayer_lowered:
.L_overlay_start_2:
0x3d: {  	(tag) =	ssettag $0x2  }
0x3e: {  	s0 =	rddreg [dreg:$0x0];
	s2 =	stileid.u32  }
0x3f: {  	s1 =	rddreg [dreg:$0x1];
	p0 =	sne.s32 s2, $0x0  }
0x40: {  	s3 =	rddreg [dreg:$0x2];
	[bflag:$0x3] =	sbarrier.arrive $0xFFFF;
	s2 =	simm.s32 @!p0 $0x1C02  }
0x41: {  	[timem:s3], [sflag:s2] =	dma.local @!p0 [hbm:s0], s1  }
0x42: {  	s0 =	simm.s32 @!p0 $0x2  }
0x43: {  	_ =	swait.ge @!p0 [sflag:s0], s1  }
0x44: {  	s1 =	ssub.s32 @!p0 $0x0, s1;
	[sflag:s0] =	ssyncset.done @!p0 $0x0  }
0x45: {  	[sflag:s0] =	ssyncadd.s32 @!p0 s1  }
0x46: {  	[bflag:$0x3] =	sbarrier.arrive $0xFFFF  }
0x47: {  	_ =	shalt  }

// kernel: kernel.21.cloned.1.call-start
scs
__scs_entry_jumppad:
0x0: {  	(pc) =	sbr.rel $0x88, $3  }
0x1: {  	(tag) =	ssettag $0x0;
	lr =	simm.s32 $0x1  }
0x2: {  	[smem:$0x3F96] =	sst lr;
	_ =	strace $0xD0000000  }
0x3: {  	_ = 	snop  }
0x4: {  	_ = 	snop  }
0x5: {  	_ = 	snop  }
0x6: {  	_ = 	snop  }
0x7: {  	_ = 	snop  }
__scs_overlays_trampoline_lowered:
0x8: {  	[smem:$0x3FA5] =	sst s0  }
0x9: {  	[smem:$0x3FA6] =	sst s1  }
0xa: {  	[smem:$0x3FA7] =	sst s2  }
0xb: {  	[smem:$0x3FA8] =	sst s3  }
0xc: {  	[smem:$0x3FA9] =	sst s4  }
0xd: {  	[smem:$0x3FAA] =	sst s5  }
0xe: {  	[smem:$0x3FAB] =	sst s6  }
0xf: {  	[smem:$0x3FAC] =	sst s7  }
0x10: {  	[smem:$0x3FAD] =	sst s8  }
0x11: {  	[smem:$0x3FAE] =	sst s9;
	s0 =	simm.s32 @!p0 $0x0  }
0x12: {  	s1 =	sld [smem:$0x3F94];
	s0 =	simm.s32 @p0 $0x1  }
0x13: {  	[smem:$0x3FAF] =	sst s0;
	s0 =	simm.s32 @!p1 $0x0  }
0x14: {  	s2 =	sld [smem:$0x3F93];
	s0 =	simm.s32 @p1 $0x1  }
0x15: {  	[smem:$0x3FB0] =	sst s0;
	s0 =	simm.s32 @!p2 $0x0  }
0x16: {  	s3 =	sld [smem:$0x3FDB];
	s0 =	simm.s32 @p2 $0x1  }
0x17: {  	s4 =	simm.s32 $0x1BF5;
	[smem:$0x3FB2] =	sst s0  }
0x18: {  	s0 =	sld [smem:$0x3F95];
	_ =	swait.ge [sflag:s4], $0x0  }
0x19: {  	s7 =	sld [smem:$0x3F96]  }
0x1a: {  	s8 =	sadd.s32 $0xFFFFE003, lr  }
0x1b: {  	s9 =	sadd.s32 $0xFFFFFEF7, lr;
	s5 =	simm.s32 $0xFFFFFFFF;
	p2 =	slt.u32 s8, $0xFFFFF086  }
0x1c: {  	p1 =	slt.u32 s9, $0xF7A;
	s5 =	simm.s32 @!p2 $0x0  }
0x1d: {  	s5 =	simm.s32 @p1 $0x1;
	p0 =	seq.s32 s7, s2  }
0x1e: {  	s7 =	smul.u32 @!p0 $0xF7A, s2;
	p2 =	seq.s32 @!p0 s5, $0x0  }
0x1f: {  	s9 =	smul.u32 $0xF7A, s1;
	s8 =	simm.s32 @!p0 $0x1BF5;
	p2 =	por !p2, p0  }
0x20: {  	[sflag:s8] =	ssyncset.s32 @!p0 $0xFFFFF086;
	s6 =	sadd.s32 @!p0 s3, s7;
	s7 =	simm.s32 @!p0 $0x108  }
0x21: {  	s3 =	sadd.s32 s3, s9;
	s6 =	sadd.s32 @!p0 $0x88, s6;
	s7 =	simm.s32 @p2 $0x1082  }
0x22: {  	[simem:s7], [sflag:s8] =	dma.local @!p0 [hbm:s6], $0xF7A  }
0x23: {  	s9 =	sor.u32 $0xD0000000, s2;
	s6 =	simm.s32 $0x108;
	_ =	swait.ge @!p0 [sflag:s8], $0x0  }
0x24: {  	s3 =	sadd.s32 $0x88, s3;
	s6 =	simm.s32 @!p1 $0x1082;
	[sflag:s4] =	ssyncset.s32 $0xFFFFF086  }
0x25: {  	[simem:s6], [sflag:s4] =	dma.local [hbm:s3], $0xF7A  }
0x26: {  	[smem:$0x3F96] =	sst s1;
	(tag) =	ssettag s2;
	_ =	strace s9  }
0x27: {  	s1 =	sld [smem:$0x3FA6]  }
0x28: {  	s2 =	sld [smem:$0x3FA7]  }
0x29: {  	s4 =	sld [smem:$0x3FA9]  }
0x2a: {  	p0 =	seq.s32 s5, $0x0;
	s5 =	sld [smem:$0x3FAA]  }
0x2b: {  	s6 =	sld [smem:$0x3FAB]  }
0x2c: {  	s7 =	sld [smem:$0x3FAC]  }
0x2d: {  	s3 =	simm.s32 $0x108;
	s8 =	sld [smem:$0x3FAD]  }
0x2e: {  	s3 =	simm.s32 @!p0 $0x1082;
	s9 =	sld [smem:$0x3FAE]  }
0x2f: {  	lr =	sadd.s32 s0, s3;
	s0 =	sld [smem:$0x3FA5]  }
0x30: {  	s3 =	sld [smem:$0x3FA8]  }
0x31: {  	[smem:$0x3FB1] =	sst s10  }
0x32: {  	s10 =	sld [smem:$0x3FAF];
	_ =	sdelay $0x3  }
0x33: {  	p0 =	seq.s32 s10, $0x1;
	s10 =	sld [smem:$0x3FB1];
	_ =	sdelay $0x3  }
0x34: {  	[smem:$0x3FB1] =	sst s10  }
0x35: {  	s10 =	sld [smem:$0x3FB0];
	_ =	sdelay $0x3  }
0x36: {  	p1 =	seq.s32 s10, $0x1;
	s10 =	sld [smem:$0x3FB1];
	_ =	sdelay $0x3  }
0x37: {  	[smem:$0x3FB1] =	sst s10  }
0x38: {  	s10 =	sld [smem:$0x3FB2]  }
0x39: {  	_ = 	snop;
	(pc) =	sbr.ind lr, $3  }
0x3a: {  	_ = 	snop  }
0x3b: {  	_ = 	snop  }
0x3c: {  	p2 =	seq.s32 s10, $0x1;
	s10 =	sld [smem:$0x3FB1]  }
0x3d: {  	_ =	shalt  }
0x3e: {  	_ =	shalt  }
0x3f: {  	_ =	shalt  }
0x40: {  	_ =	shalt  }
0x41: {  	_ =	shalt  }
0x42: {  	_ =	shalt  }
0x43: {  	_ =	shalt  }
0x44: {  	_ =	shalt  }
0x45: {  	_ =	shalt  }
0x46: {  	_ =	shalt  }
0x47: {  	_ =	shalt  }
0x48: {  	_ =	shalt  }
0x49: {  	_ =	shalt  }
0x4a: {  	_ =	shalt  }
0x4b: {  	_ =	shalt  }
0x4c: {  	_ =	shalt  }
0x4d: {  	_ =	shalt  }
0x4e: {  	_ =	shalt  }
0x4f: {  	_ =	shalt  }
0x50: {  	_ =	shalt  }
0x51: {  	_ =	shalt  }
0x52: {  	_ =	shalt  }
0x53: {  	_ =	shalt  }
0x54: {  	_ =	shalt  }
0x55: {  	_ =	shalt  }
0x56: {  	_ =	shalt  }
0x57: {  	_ =	shalt  }
0x58: {  	_ =	shalt  }
0x59: {  	_ =	shalt  }
0x5a: {  	_ =	shalt  }
0x5b: {  	_ =	shalt  }
0x5c: {  	_ =	shalt  }
0x5d: {  	_ =	shalt  }
0x5e: {  	_ =	shalt  }
0x5f: {  	_ =	shalt  }
0x60: {  	_ =	shalt  }
0x61: {  	_ =	shalt  }
0x62: {  	_ =	shalt  }
0x63: {  	_ =	shalt  }
0x64: {  	_ =	shalt  }
0x65: {  	_ =	shalt  }
0x66: {  	_ =	shalt  }
0x67: {  	_ =	shalt  }
0x68: {  	_ =	shalt  }
0x69: {  	_ =	shalt  }
0x6a: {  	_ =	shalt  }
0x6b: {  	_ =	shalt  }
0x6c: {  	_ =	shalt  }
0x6d: {  	_ =	shalt  }
0x6e: {  	_ =	shalt  }
0x6f: {  	_ =	shalt  }
0x70: {  	_ =	shalt  }
0x71: {  	_ =	shalt  }
0x72: {  	_ =	shalt  }
0x73: {  	_ =	shalt  }
0x74: {  	_ =	shalt  }
0x75: {  	_ =	shalt  }
0x76: {  	_ =	shalt  }
0x77: {  	_ =	shalt  }
0x78: {  	_ =	shalt  }
0x79: {  	_ =	shalt  }
0x7a: {  	_ =	shalt  }
0x7b: {  	_ =	shalt  }
0x7c: {  	_ =	shalt  }
0x7d: {  	_ =	shalt  }
0x7e: {  	_ =	shalt  }
0x7f: {  	_ =	shalt  }
0x80: {  	_ =	shalt  }
0x81: {  	_ =	shalt  }
0x82: {  	_ =	shalt  }
0x83: {  	_ =	shalt  }
0x84: {  	_ =	shalt  }
0x85: {  	_ =	shalt  }
0x86: {  	_ =	shalt  }
0x87: {  	_ =	shalt  }
.Lfunc_end0:
.L_simem_size_0:
called_computation.3_lowered:
.L_overlay_start_0:
0x88: {  	s2 =	sld [smem:$0x3FD9]  }
0x89: {  	s3 =	sld [smem:$0x3FFE];
	_ =	sdelay $0x1  }
0x8a: {  	s1 =	srdreg.scid  }
0x8b: {  	s0 =	sand.u32 $0x1, s1  }
0x8c: {  	s17 =	sshll.u32 s0, $0xA;
	s2 =	sadd.s32 s3, s2  }
0x8d: {  	s2 =	sadd.s32 s2, s17  }
0x8e: {  	[smem:$0x3FBD] =	sst s2  }
0x8f: {  	_ = 	snop  }
0x90: {  	s2 =	sld [smem:$0x3FD0];
	(tm) =	ssettm $0x1  }
0x91: {  	s18 =	sld [smem:$0x3FFB];
	_ =	sdelay $0x3  }
0x92: {  	_ =	strace s18  }
0x93: {  	s3 =	sld [smem:$0x3FFC];
	_ =	sdelay $0x3  }
0x94: {  	_ =	strace s3  }
0x95: {  	s3 =	sld [smem:$0x3FFD];
	_ =	sdelay $0x3  }
0x96: {  	_ =	strace s3  }
0x97: {  	_ =	strace $0x8FFFFFFF  }
0x98: {  	s19 =	sld [smem:$0x3FDB];
	_ =	sdelay $0x1  }
0x99: {  	s4 =	simm.s32 $_scs_section_size  }
0x9a: {  	s5 =	simm.s32 $_size__tile_overlayer_lowered;
	s6 =	simm.s32 $_tile_overlayer_lowered  }
0x9b: {  	s22 =	simm.s32 $0x1BFF;
	s21 =	sshll.u32 s6, $0x1;
	s3 =	sadd.s32 s4, s19  }
0x9c: {  	s7 =	simm.s32 $0x0;
	s20 =	sshll.u32 s5, $0x1;
	s5 =	sadd.s32 s21, s3  }
0x9d: {  	[timem:s7], [sflag:s22] =	dma.local [hbm:s5], s20  }
0x9e: {  	_ =	swait.ge [sflag:s22], s20  }
0x9f: {  	s4 =	ssub.s32 $0x0, s20;
	[sflag:s22] =	ssyncset.done $0x0  }
0xa0: {  	[sflag:s22] =	ssyncadd.s32 s4;
	_ =	sdelay $0x1  }
0xa1: {  	s23 =	simm.s32 $0x1B8B  }
0xa2: {  	_ =	swait.ge [sflag:s23], $0x1  }
0xa3: {  	[sflag:s23] =	ssyncset.done $0x0  }
0xa4: {  	s25 =	simm.s32 $0x1B8E;
	s24 =	sld [smem:$0x3FFE];
	[sflag:s23] =	ssyncadd.s32 $0xFFFFFFFF  }
0xa5: {  	s26 =	simm.s32 $execute0_lowered;
	[smem:$0x3FD2] =	sst s25  }
0xa6: {  	s5 =	sshll.u32 s26, $0x1;
	_ =	strace $0x8000004F;
	[dreg:$0x1] =	wrdreg $0xFFFFFFFF  }
0xa7: {  	s28 =	simm.s32 $_size_execute0_lowered;
	s3 =	sadd.s32 s3, s5;
	[dreg:$0x0] =	wrdreg $0x0  }
0xa8: {  	s5 =	sshll.u32 s28, $0x1;
	[dreg:$0x2] =	wrdreg s3  }
0xa9: {  	[dreg:$0x3] =	wrdreg s5  }
0xaa: {  	[dreg:$0x4] =	wrdreg $0xC0  }
0xab: {  	_ =	task [dreg:s7], $0x5FFFF  }
0xac: {  	[dreg:$0x1] =	wrdreg $0xFFFFFFFF  }
0xad: {  	[dreg:$0x0] =	wrdreg $0x60  }
0xae: {  	[dreg:$0x2] =	wrdreg s24  }
0xaf: {  	[dreg:$0x3] =	wrdreg s2  }
0xb0: {  	[dreg:$0x4] =	wrdreg $0x8F000  }
0xb1: {  	[dreg:$0x5] =	wrdreg $0x9  }
0xb2: {  	_ =	task.clear_ibuf [dreg:s7], $0x6FFFF;
	_ =	strace $0x9000004F  }
0xb3: {  	s29 =	simm.s32 $0x9;
	_ =	strace $0x80000051  }
0xb4: {  	_ =	swait.ge [sflag:s29], $0x1  }
0xb5: {  	[sflag:s29] =	ssyncadd.s32 $0xFFFFFFFF  }
0xb6: {  	_ =	strace $0x90000051  }
0xb7: {  	_ =	sfence  }
0xb8: {  	s30 =	sld [smem:$0x0];
	_ =	sdelay $0x2  }
0xb9: {  	s31 =	sshll.u32 s1, $0xD;
	s1 =	sshrl.u32 s1, $0x2  }
0xba: {  	s3 =	sand.u32 $0x4000, s31;
	s1 =	sadd.s32 s1, s30  }
0xbb: {  	s0 =	sor.u32 s3, s0;
	s1 =	sshll.u32 s1, $0x11  }
0xbc: {  	s0 =	sor.u32 s1, s0  }
0xbd: {  	s0 =	sadd.s32 $0x8F2B, s0  }
0xbe: {  	[sflag:s0] =	ssyncadd.remote.s32 $0x1  }
0xbf: {  	_ =	sfence.sel $0xFFFF  }
0xc0: {  	[dreg:$0x0] =	wrdreg $0xFFFFFFFF;
	(pc) =	sbr.abs _section_cstart, $3  }
0xc1: {  	[dreg:$0x1] =	wrdreg $0xFFFFFFFF  }
0xc2: {  	_ =	task.clear_ibuf [dreg:s7], $0x2FFFF;
	_ =	strace $0x9FFFFFFF  }
0xc3: {  	(tm) =	ssettm $0x7FFFFFFF  }
tec
execute0_lowered:
.L_overlay_start_1:
0x0: {  	(tag) =	ssettag $0x1  }
0x1: {  	s5 =	rddreg [dreg:$0x0]  }
0x2: {  	s6 =	rddreg [dreg:$0x1]  }
0x3: {  	s2 =	rddreg [dreg:$0x2]  }
0x4: {  	s0 =	rddreg [dreg:$0x3]  }
0x5: {  	s4 =	srdreg.scid;
	s1 =	stileid.u32;
	s3 =	simm.s32 $0x0  }
0x6: {  	s14 =	simm.s32 $0x1;
	s15 =	simm.s32 $0x0;
	s7 =	sand.u32 $0x1, s4  }
0x7: {  	s8 =	smul.u32 $0x27000, s1;
	[smem:$0x7FF] =	sst s3;
	s4 =	sadd.s32 $0x43200, s5  }
0x8: {  	s12 =	sadd.s32 $0x1C000, s5;
	s31 =	sshll.u32 s1, $0x6;
	s9 =	smul.u32 $0x271000, s7  }
0x9: {  	_ =	strace $0x80000050;
	s10 =	sshll.u32 s7, $0x4;
	s11 =	ssub.s32 $0x2, s7  }
0xa: {  	p0 =	seq.s32 s7, $0x0;
	s10 =	sor.u32 s1, s10;
	s29 =	sshrl.u32 s11, $0x1  }
0xb: {  	s30 =	sshrl.u32 s8, $0x1;
	s12 =	smov.u32 @p0 s4;
	s9 =	sadd.s32 s8, s9  }
0xc: {  	s10 =	smul.u32 $0x9E0, s10;
	s11 =	ssub.s32 s11, s29;
	s13 =	sadd.s32 s30, s2  }
0xd: {  	s8 =	sshrl.u32 s8, $0x4;
	s9 =	sshrl.u32 s9, $0x4;
	s7 =	smax.u32 s11, $0x1  }
0xe: {  	s8 =	sadd.s32 s12, s8;
	s11 =	sshrl.u32 s13, $0x3;
	s12 =	simm.s32 $0x80  }
0xf: {  	s13 =	simm.s32 $0x4F00;
	s9 =	sadd.s32 s9, s5;
	s5 =	sadd.s32 s6, s10  }
0x10: {  	s10 =	sor.u32 $0x1C02, s31;
	s6 =	sadd.s32 $0xDF600, s9;
	s9 =	simm.s32 $0x2  }
.LBB2_1:
0x11: {  	[tilespmem:s3], [sflag:$0x2] =	stream.linear.gather [hbm4b:s5+s3], $0x4F00, $0x38;
	[tilespmem:$0x1C800] =	vst v63  }
0x12: {  	_ =	swait.ge [sflag:s9], $0x4F00  }
0x13: {  	[sflag:s9] =	ssyncset.done $0x0  }
0x14: {  	[sflag:s9] =	ssyncadd.s32 $0xFFFFB100  }
0x15: {  	[spmem:s11], [sflag:s10] =	dma.local [hbm:s8], $0x2800  }
0x16: {  	_ =	swait.ge [sflag:s9], $0x2800  }
0x17: {  	[sflag:s9] =	ssyncset.done $0x0  }
0x18: {  	[sflag:s9] =	ssyncadd.s32 $0xFFFFD800  }
0x19: {  	s16 =	simm.s32 $0x0;
	[bflag:$0x0] =	sbarrier.arrive $0xFFFF  }
0x1a: {  	[tilespmem:s13], [sflag:$0x1] =	stream.indirect.gather [hbm4b:s4+s12], $0x80, s16, s12, $0xb8;
	[tilespmem:$0x1C800] =	vst v63  }
0x1b: {  	_ =	swait.ge [sflag:s14], $0x4000  }
0x1c: {  	[sflag:s14] =	ssyncset.done $0x0  }
0x1d: {  	s31 =	simm.s32 $0x80;
	[sflag:s14] =	ssyncadd.s32 $0xFFFFC000  }
0x1e: {  	[spmem:s2] =	stream.indirect.scatter.add.bf16 [tilespmem:s13], [sflag:$0x2], $0x80, s31, s12, $0xb8;
	[tilespmem:$0x1C800] =	vst v63  }
0x1f: {  	_ =	swait.ge [sflag:s9], $0x4000  }
0x20: {  	s17 =	simm.s32 $0x800;
	s16 =	simm.s32 $0x400;
	[sflag:s9] =	ssyncset.done $0x0  }
.LBB2_2:
0x21: {  	s18 =	sshra.s32 s16, $0x2  }
0x22: {  	[sflag:s9] =	ssyncadd.s32 $0xFFFFC000;
	s16 =	smov.u32 s17;
	s19 =	sadd.s32 $0x400, s17  }
0x23: {  	[tilespmem:s13], [sflag:$0x1] =	stream.indirect.gather [hbm4b:s4+s12], $0x80, s18, s12, $0xb8;
	[tilespmem:$0x1C800] =	vst v63  }
0x24: {  	p0 =	sne.s32 s17, $0x13800;
	_ =	swait.ge [sflag:s14], $0x4000  }
.Ltmp0:
0x25: {  	[sflag:s14] =	ssyncset.done $0x0;
	(pc) =	sbr.rel @p0 .LBB2_2-.Ltmp0, $4  }
0x26: {  	s17 =	sadd.s32 $0x80, s18;
	[sflag:s14] =	ssyncadd.s32 $0xFFFFC000  }
0x27: {  	[spmem:s2] =	stream.indirect.scatter.add.bf16 [tilespmem:s13], [sflag:$0x2], $0x80, s17, s12, $0xb8;
	[tilespmem:$0x1C800] =	vst v63  }
0x28: {  	_ =	swait.ge [sflag:s9], $0x4000  }
0x29: {  	s17 =	smov.u32 s19;
	[sflag:s9] =	ssyncset.done $0x0  }
0x2a: {  	s16 =	sshra.s32 s16, $0x2;
	[sflag:s9] =	ssyncadd.s32 $0xFFFFC000  }
0x2b: {  	[tilespmem:s13], [sflag:$0x1] =	stream.indirect.gather [hbm4b:s4+s12], $0x80, s16, s12, $0xb8;
	[tilespmem:$0x1C800] =	vst v63  }
0x2c: {  	_ =	swait.ge [sflag:s14], $0x4000  }
0x2d: {  	[sflag:s14] =	ssyncset.done $0x0  }
0x2e: {  	s16 =	sadd.s32 $0x80, s16;
	[sflag:s14] =	ssyncadd.s32 $0xFFFFC000  }
0x2f: {  	[spmem:s2] =	stream.indirect.scatter.add.bf16 [tilespmem:s13], [sflag:$0x2], $0x80, s16, s12, $0xb8;
	[tilespmem:$0x1C800] =	vst v63  }
0x30: {  	_ =	swait.ge [sflag:s9], $0x4000  }
0x31: {  	s15 =	sadd.s32 $0x1, s15;
	[sflag:s9] =	ssyncset.done $0x0  }
0x32: {  	p0 =	sne.s32 s15, s7;
	[sflag:s9] =	ssyncadd.s32 $0xFFFFC000  }
.Ltmp1:
0x33: {  	[bflag:$0x0] =	sbarrier.arrive $0xFFFF;
	(pc) =	sbr.rel @p0 .LBB2_1-.Ltmp1, $4  }
0x34: {  	[hbm:s6], [sflag:s10] =	dma.local [spmem:s11], $0x2800  }
0x35: {  	_ =	swait.ge [sflag:s9], $0x2800  }
0x36: {  	[sflag:s9] =	ssyncset.done $0x0  }
0x37: {  	[sflag:s9] =	ssyncadd.s32 $0xFFFFD800  }
0x38: {  	_ =	sfence.sel $0x180000  }
0x39: {  	[bflag:$0x0] =	sbarrier.arrive $0xFFFF  }
0x3a: {  	p0 =	sne.s32 s1, $0x0;
	_ =	strace $0x90000050  }
0x3b: {  	s0 =	sadd.s32 @!p0 $0x100000, s0;
	[bflag:$0x2] =	sbarrier.arrive $0xFFFF  }
0x3c: {  	[sflag:s0] =	ssyncadd.tile.s32 @!p0 $0x1;
	_ =	shalt  }
.Lfunc_end2:
_tile_overlayer_lowered:
.L_overlay_start_2:
0x3d: {  	(tag) =	ssettag $0x2  }
0x3e: {  	s0 =	rddreg [dreg:$0x0];
	s2 =	stileid.u32  }
0x3f: {  	s1 =	rddreg [dreg:$0x1];
	p0 =	sne.s32 s2, $0x0  }
0x40: {  	s3 =	rddreg [dreg:$0x2];
	[bflag:$0x3] =	sbarrier.arrive $0xFFFF;
	s2 =	simm.s32 @!p0 $0x1C02  }
0x41: {  	[timem:s3], [sflag:s2] =	dma.local @!p0 [hbm:s0], s1  }
0x42: {  	s0 =	simm.s32 @!p0 $0x2  }
0x43: {  	_ =	swait.ge @!p0 [sflag:s0], s1  }
0x44: {  	s1 =	ssub.s32 @!p0 $0x0, s1;
	[sflag:s0] =	ssyncset.done @!p0 $0x0  }
0x45: {  	[sflag:s0] =	ssyncadd.s32 @!p0 s1  }
0x46: {  	[bflag:$0x3] =	sbarrier.arrive $0xFFFF  }
0x47: {  	_ =	shalt  }

// kernel: kernel.24.cloned.1.call-start
scs
__scs_entry_jumppad:
0x0: {  	(pc) =	sbr.rel $0x88, $3  }
0x1: {  	(tag) =	ssettag $0x0;
	lr =	simm.s32 $0x1  }
0x2: {  	[smem:$0x3F96] =	sst lr;
	_ =	strace $0xD0000000  }
0x3: {  	_ = 	snop  }
0x4: {  	_ = 	snop  }
0x5: {  	_ = 	snop  }
0x6: {  	_ = 	snop  }
0x7: {  	_ = 	snop  }
__scs_overlays_trampoline_lowered:
0x8: {  	[smem:$0x3FA5] =	sst s0  }
0x9: {  	[smem:$0x3FA6] =	sst s1  }
0xa: {  	[smem:$0x3FA7] =	sst s2  }
0xb: {  	[smem:$0x3FA8] =	sst s3  }
0xc: {  	[smem:$0x3FA9] =	sst s4  }
0xd: {  	[smem:$0x3FAA] =	sst s5  }
0xe: {  	[smem:$0x3FAB] =	sst s6  }
0xf: {  	[smem:$0x3FAC] =	sst s7  }
0x10: {  	[smem:$0x3FAD] =	sst s8  }
0x11: {  	[smem:$0x3FAE] =	sst s9;
	s0 =	simm.s32 @!p0 $0x0  }
0x12: {  	s1 =	sld [smem:$0x3F94];
	s0 =	simm.s32 @p0 $0x1  }
0x13: {  	[smem:$0x3FAF] =	sst s0;
	s0 =	simm.s32 @!p1 $0x0  }
0x14: {  	s2 =	sld [smem:$0x3F93];
	s0 =	simm.s32 @p1 $0x1  }
0x15: {  	[smem:$0x3FB0] =	sst s0;
	s0 =	simm.s32 @!p2 $0x0  }
0x16: {  	s3 =	sld [smem:$0x3FDB];
	s0 =	simm.s32 @p2 $0x1  }
0x17: {  	s4 =	simm.s32 $0x1BF5;
	[smem:$0x3FB2] =	sst s0  }
0x18: {  	s0 =	sld [smem:$0x3F95];
	_ =	swait.ge [sflag:s4], $0x0  }
0x19: {  	s7 =	sld [smem:$0x3F96]  }
0x1a: {  	s8 =	sadd.s32 $0xFFFFE003, lr  }
0x1b: {  	s9 =	sadd.s32 $0xFFFFFEF7, lr;
	s5 =	simm.s32 $0xFFFFFFFF;
	p2 =	slt.u32 s8, $0xFFFFF086  }
0x1c: {  	p1 =	slt.u32 s9, $0xF7A;
	s5 =	simm.s32 @!p2 $0x0  }
0x1d: {  	s5 =	simm.s32 @p1 $0x1;
	p0 =	seq.s32 s7, s2  }
0x1e: {  	s7 =	smul.u32 @!p0 $0xF7A, s2;
	p2 =	seq.s32 @!p0 s5, $0x0  }
0x1f: {  	s9 =	smul.u32 $0xF7A, s1;
	s8 =	simm.s32 @!p0 $0x1BF5;
	p2 =	por !p2, p0  }
0x20: {  	[sflag:s8] =	ssyncset.s32 @!p0 $0xFFFFF086;
	s6 =	sadd.s32 @!p0 s3, s7;
	s7 =	simm.s32 @!p0 $0x108  }
0x21: {  	s3 =	sadd.s32 s3, s9;
	s6 =	sadd.s32 @!p0 $0x88, s6;
	s7 =	simm.s32 @p2 $0x1082  }
0x22: {  	[simem:s7], [sflag:s8] =	dma.local @!p0 [hbm:s6], $0xF7A  }
0x23: {  	s9 =	sor.u32 $0xD0000000, s2;
	s6 =	simm.s32 $0x108;
	_ =	swait.ge @!p0 [sflag:s8], $0x0  }
0x24: {  	s3 =	sadd.s32 $0x88, s3;
	s6 =	simm.s32 @!p1 $0x1082;
	[sflag:s4] =	ssyncset.s32 $0xFFFFF086  }
0x25: {  	[simem:s6], [sflag:s4] =	dma.local [hbm:s3], $0xF7A  }
0x26: {  	[smem:$0x3F96] =	sst s1;
	(tag) =	ssettag s2;
	_ =	strace s9  }
0x27: {  	s1 =	sld [smem:$0x3FA6]  }
0x28: {  	s2 =	sld [smem:$0x3FA7]  }
0x29: {  	s4 =	sld [smem:$0x3FA9]  }
0x2a: {  	p0 =	seq.s32 s5, $0x0;
	s5 =	sld [smem:$0x3FAA]  }
0x2b: {  	s6 =	sld [smem:$0x3FAB]  }
0x2c: {  	s7 =	sld [smem:$0x3FAC]  }
0x2d: {  	s3 =	simm.s32 $0x108;
	s8 =	sld [smem:$0x3FAD]  }
0x2e: {  	s3 =	simm.s32 @!p0 $0x1082;
	s9 =	sld [smem:$0x3FAE]  }
0x2f: {  	lr =	sadd.s32 s0, s3;
	s0 =	sld [smem:$0x3FA5]  }
0x30: {  	s3 =	sld [smem:$0x3FA8]  }
0x31: {  	[smem:$0x3FB1] =	sst s10  }
0x32: {  	s10 =	sld [smem:$0x3FAF];
	_ =	sdelay $0x3  }
0x33: {  	p0 =	seq.s32 s10, $0x1;
	s10 =	sld [smem:$0x3FB1];
	_ =	sdelay $0x3  }
0x34: {  	[smem:$0x3FB1] =	sst s10  }
0x35: {  	s10 =	sld [smem:$0x3FB0];
	_ =	sdelay $0x3  }
0x36: {  	p1 =	seq.s32 s10, $0x1;
	s10 =	sld [smem:$0x3FB1];
	_ =	sdelay $0x3  }
0x37: {  	[smem:$0x3FB1] =	sst s10  }
0x38: {  	s10 =	sld [smem:$0x3FB2]  }
0x39: {  	_ = 	snop;
	(pc) =	sbr.ind lr, $3  }
0x3a: {  	_ = 	snop  }
0x3b: {  	_ = 	snop  }
0x3c: {  	p2 =	seq.s32 s10, $0x1;
	s10 =	sld [smem:$0x3FB1]  }
0x3d: {  	_ =	shalt  }
0x3e: {  	_ =	shalt  }
0x3f: {  	_ =	shalt  }
0x40: {  	_ =	shalt  }
0x41: {  	_ =	shalt  }
0x42: {  	_ =	shalt  }
0x43: {  	_ =	shalt  }
0x44: {  	_ =	shalt  }
0x45: {  	_ =	shalt  }
0x46: {  	_ =	shalt  }
0x47: {  	_ =	shalt  }
0x48: {  	_ =	shalt  }
0x49: {  	_ =	shalt  }
0x4a: {  	_ =	shalt  }
0x4b: {  	_ =	shalt  }
0x4c: {  	_ =	shalt  }
0x4d: {  	_ =	shalt  }
0x4e: {  	_ =	shalt  }
0x4f: {  	_ =	shalt  }
0x50: {  	_ =	shalt  }
0x51: {  	_ =	shalt  }
0x52: {  	_ =	shalt  }
0x53: {  	_ =	shalt  }
0x54: {  	_ =	shalt  }
0x55: {  	_ =	shalt  }
0x56: {  	_ =	shalt  }
0x57: {  	_ =	shalt  }
0x58: {  	_ =	shalt  }
0x59: {  	_ =	shalt  }
0x5a: {  	_ =	shalt  }
0x5b: {  	_ =	shalt  }
0x5c: {  	_ =	shalt  }
0x5d: {  	_ =	shalt  }
0x5e: {  	_ =	shalt  }
0x5f: {  	_ =	shalt  }
0x60: {  	_ =	shalt  }
0x61: {  	_ =	shalt  }
0x62: {  	_ =	shalt  }
0x63: {  	_ =	shalt  }
0x64: {  	_ =	shalt  }
0x65: {  	_ =	shalt  }
0x66: {  	_ =	shalt  }
0x67: {  	_ =	shalt  }
0x68: {  	_ =	shalt  }
0x69: {  	_ =	shalt  }
0x6a: {  	_ =	shalt  }
0x6b: {  	_ =	shalt  }
0x6c: {  	_ =	shalt  }
0x6d: {  	_ =	shalt  }
0x6e: {  	_ =	shalt  }
0x6f: {  	_ =	shalt  }
0x70: {  	_ =	shalt  }
0x71: {  	_ =	shalt  }
0x72: {  	_ =	shalt  }
0x73: {  	_ =	shalt  }
0x74: {  	_ =	shalt  }
0x75: {  	_ =	shalt  }
0x76: {  	_ =	shalt  }
0x77: {  	_ =	shalt  }
0x78: {  	_ =	shalt  }
0x79: {  	_ =	shalt  }
0x7a: {  	_ =	shalt  }
0x7b: {  	_ =	shalt  }
0x7c: {  	_ =	shalt  }
0x7d: {  	_ =	shalt  }
0x7e: {  	_ =	shalt  }
0x7f: {  	_ =	shalt  }
0x80: {  	_ =	shalt  }
0x81: {  	_ =	shalt  }
0x82: {  	_ =	shalt  }
0x83: {  	_ =	shalt  }
0x84: {  	_ =	shalt  }
0x85: {  	_ =	shalt  }
0x86: {  	_ =	shalt  }
0x87: {  	_ =	shalt  }
.Lfunc_end0:
.L_simem_size_0:
called_computation.4_lowered:
.L_overlay_start_0:
0x88: {  	s2 =	sld [smem:$0x3FD9]  }
0x89: {  	s3 =	sld [smem:$0x3FFE];
	_ =	sdelay $0x1  }
0x8a: {  	s1 =	srdreg.scid  }
0x8b: {  	s0 =	sand.u32 $0x1, s1  }
0x8c: {  	s17 =	sshll.u32 s0, $0xA;
	s2 =	sadd.s32 s3, s2  }
0x8d: {  	s2 =	sadd.s32 s2, s17  }
0x8e: {  	[smem:$0x3FBD] =	sst s2  }
0x8f: {  	_ = 	snop  }
0x90: {  	s2 =	sld [smem:$0x3FD0];
	(tm) =	ssettm $0x1  }
0x91: {  	s18 =	sld [smem:$0x3FFB];
	_ =	sdelay $0x3  }
0x92: {  	_ =	strace s18  }
0x93: {  	s3 =	sld [smem:$0x3FFC];
	_ =	sdelay $0x3  }
0x94: {  	_ =	strace s3  }
0x95: {  	s3 =	sld [smem:$0x3FFD];
	_ =	sdelay $0x3  }
0x96: {  	_ =	strace s3  }
0x97: {  	_ =	strace $0x8FFFFFFF  }
0x98: {  	s19 =	sld [smem:$0x3FDB];
	_ =	sdelay $0x1  }
0x99: {  	s4 =	simm.s32 $_scs_section_size  }
0x9a: {  	s5 =	simm.s32 $_size__tile_overlayer_lowered;
	s6 =	simm.s32 $_tile_overlayer_lowered  }
0x9b: {  	s22 =	simm.s32 $0x1BFF;
	s21 =	sshll.u32 s6, $0x1;
	s3 =	sadd.s32 s4, s19  }
0x9c: {  	s7 =	simm.s32 $0x0;
	s20 =	sshll.u32 s5, $0x1;
	s5 =	sadd.s32 s21, s3  }
0x9d: {  	[timem:s7], [sflag:s22] =	dma.local [hbm:s5], s20  }
0x9e: {  	_ =	swait.ge [sflag:s22], s20  }
0x9f: {  	s4 =	ssub.s32 $0x0, s20;
	[sflag:s22] =	ssyncset.done $0x0  }
0xa0: {  	[sflag:s22] =	ssyncadd.s32 s4;
	_ =	sdelay $0x1  }
0xa1: {  	s23 =	simm.s32 $0x1B8B  }
0xa2: {  	_ =	swait.ge [sflag:s23], $0x1  }
0xa3: {  	[sflag:s23] =	ssyncset.done $0x0  }
0xa4: {  	s25 =	simm.s32 $0x1B8E;
	s24 =	sld [smem:$0x3FFE];
	[sflag:s23] =	ssyncadd.s32 $0xFFFFFFFF  }
0xa5: {  	s26 =	simm.s32 $execute0_lowered;
	[smem:$0x3FD2] =	sst s25  }
0xa6: {  	s5 =	sshll.u32 s26, $0x1;
	_ =	strace $0x80000052;
	[dreg:$0x1] =	wrdreg $0xFFFFFFFF  }
0xa7: {  	s28 =	simm.s32 $_size_execute0_lowered;
	s3 =	sadd.s32 s3, s5;
	[dreg:$0x0] =	wrdreg $0x0  }
0xa8: {  	s5 =	sshll.u32 s28, $0x1;
	[dreg:$0x2] =	wrdreg s3  }
0xa9: {  	[dreg:$0x3] =	wrdreg s5  }
0xaa: {  	[dreg:$0x4] =	wrdreg $0xC0  }
0xab: {  	_ =	task [dreg:s7], $0x5FFFF  }
0xac: {  	[dreg:$0x1] =	wrdreg $0xFFFFFFFF  }
0xad: {  	[dreg:$0x0] =	wrdreg $0x60  }
0xae: {  	[dreg:$0x2] =	wrdreg s24  }
0xaf: {  	[dreg:$0x3] =	wrdreg s2  }
0xb0: {  	[dreg:$0x4] =	wrdreg $0x8F000  }
0xb1: {  	[dreg:$0x5] =	wrdreg $0x9  }
0xb2: {  	_ =	task.clear_ibuf [dreg:s7], $0x6FFFF;
	_ =	strace $0x90000052  }
0xb3: {  	s29 =	simm.s32 $0x9;
	_ =	strace $0x80000054  }
0xb4: {  	_ =	swait.ge [sflag:s29], $0x1  }
0xb5: {  	[sflag:s29] =	ssyncadd.s32 $0xFFFFFFFF  }
0xb6: {  	_ =	strace $0x90000054  }
0xb7: {  	_ =	sfence  }
0xb8: {  	s30 =	sld [smem:$0x0];
	_ =	sdelay $0x2  }
0xb9: {  	s31 =	sshll.u32 s1, $0xD;
	s1 =	sshrl.u32 s1, $0x2  }
0xba: {  	s3 =	sand.u32 $0x4000, s31;
	s1 =	sadd.s32 s1, s30  }
0xbb: {  	s0 =	sor.u32 s3, s0;
	s1 =	sshll.u32 s1, $0x11  }
0xbc: {  	s0 =	sor.u32 s1, s0  }
0xbd: {  	s0 =	sadd.s32 $0x8F2B, s0  }
0xbe: {  	[sflag:s0] =	ssyncadd.remote.s32 $0x1  }
0xbf: {  	_ =	sfence.sel $0xFFFF  }
0xc0: {  	[dreg:$0x0] =	wrdreg $0xFFFFFFFF;
	(pc) =	sbr.abs _section_cstart, $3  }
0xc1: {  	[dreg:$0x1] =	wrdreg $0xFFFFFFFF  }
0xc2: {  	_ =	task.clear_ibuf [dreg:s7], $0x2FFFF;
	_ =	strace $0x9FFFFFFF  }
0xc3: {  	(tm) =	ssettm $0x7FFFFFFF  }
tec
execute0_lowered:
.L_overlay_start_1:
0x0: {  	(tag) =	ssettag $0x1  }
0x1: {  	s5 =	rddreg [dreg:$0x0]  }
0x2: {  	s6 =	rddreg [dreg:$0x1]  }
0x3: {  	s2 =	rddreg [dreg:$0x2]  }
0x4: {  	s0 =	rddreg [dreg:$0x3]  }
0x5: {  	s4 =	srdreg.scid;
	s1 =	stileid.u32;
	s3 =	simm.s32 $0x0  }
0x6: {  	s14 =	simm.s32 $0x1;
	s15 =	simm.s32 $0x0;
	s7 =	sand.u32 $0x1, s4  }
0x7: {  	s8 =	smul.u32 $0x27000, s1;
	[smem:$0x7FF] =	sst s3;
	s4 =	sadd.s32 $0x43200, s5  }
0x8: {  	s12 =	sadd.s32 $0x1C000, s5;
	s31 =	sshll.u32 s1, $0x6;
	s9 =	smul.u32 $0x271000, s7  }
0x9: {  	_ =	strace $0x80000053;
	s10 =	sshll.u32 s7, $0x4;
	s11 =	ssub.s32 $0x2, s7  }
0xa: {  	p0 =	seq.s32 s7, $0x0;
	s10 =	sor.u32 s1, s10;
	s29 =	sshrl.u32 s11, $0x1  }
0xb: {  	s30 =	sshrl.u32 s8, $0x1;
	s12 =	smov.u32 @p0 s4;
	s9 =	sadd.s32 s8, s9  }
0xc: {  	s10 =	smul.u32 $0x9E0, s10;
	s11 =	ssub.s32 s11, s29;
	s13 =	sadd.s32 s30, s2  }
0xd: {  	s8 =	sshrl.u32 s8, $0x4;
	s9 =	sshrl.u32 s9, $0x4;
	s7 =	smax.u32 s11, $0x1  }
0xe: {  	s8 =	sadd.s32 s12, s8;
	s11 =	sshrl.u32 s13, $0x3;
	s12 =	simm.s32 $0x80  }
0xf: {  	s13 =	simm.s32 $0x4F00;
	s9 =	sadd.s32 s9, s5;
	s5 =	sadd.s32 s6, s10  }
0x10: {  	s10 =	sor.u32 $0x1C02, s31;
	s6 =	sadd.s32 $0xDF600, s9;
	s9 =	simm.s32 $0x2  }
.LBB2_1:
0x11: {  	[tilespmem:s3], [sflag:$0x2] =	stream.linear.gather [hbm4b:s5+s3], $0x4F00, $0x38;
	[tilespmem:$0x1C800] =	vst v63  }
0x12: {  	_ =	swait.ge [sflag:s9], $0x4F00  }
0x13: {  	[sflag:s9] =	ssyncset.done $0x0  }
0x14: {  	[sflag:s9] =	ssyncadd.s32 $0xFFFFB100  }
0x15: {  	[spmem:s11], [sflag:s10] =	dma.local [hbm:s8], $0x2800  }
0x16: {  	_ =	swait.ge [sflag:s9], $0x2800  }
0x17: {  	[sflag:s9] =	ssyncset.done $0x0  }
0x18: {  	[sflag:s9] =	ssyncadd.s32 $0xFFFFD800  }
0x19: {  	s16 =	simm.s32 $0x0;
	[bflag:$0x0] =	sbarrier.arrive $0xFFFF  }
0x1a: {  	[tilespmem:s13], [sflag:$0x1] =	stream.indirect.gather [hbm4b:s4+s12], $0x80, s16, s12, $0xb8;
	[tilespmem:$0x1C800] =	vst v63  }
0x1b: {  	_ =	swait.ge [sflag:s14], $0x4000  }
0x1c: {  	[sflag:s14] =	ssyncset.done $0x0  }
0x1d: {  	s31 =	simm.s32 $0x80;
	[sflag:s14] =	ssyncadd.s32 $0xFFFFC000  }
0x1e: {  	[spmem:s2] =	stream.indirect.scatter.add.bf16 [tilespmem:s13], [sflag:$0x2], $0x80, s31, s12, $0xb8;
	[tilespmem:$0x1C800] =	vst v63  }
0x1f: {  	_ =	swait.ge [sflag:s9], $0x4000  }
0x20: {  	s17 =	simm.s32 $0x800;
	s16 =	simm.s32 $0x400;
	[sflag:s9] =	ssyncset.done $0x0  }
.LBB2_2:
0x21: {  	s18 =	sshra.s32 s16, $0x2  }
0x22: {  	[sflag:s9] =	ssyncadd.s32 $0xFFFFC000;
	s16 =	smov.u32 s17;
	s19 =	sadd.s32 $0x400, s17  }
0x23: {  	[tilespmem:s13], [sflag:$0x1] =	stream.indirect.gather [hbm4b:s4+s12], $0x80, s18, s12, $0xb8;
	[tilespmem:$0x1C800] =	vst v63  }
0x24: {  	p0 =	sne.s32 s17, $0x13800;
	_ =	swait.ge [sflag:s14], $0x4000  }
.Ltmp0:
0x25: {  	[sflag:s14] =	ssyncset.done $0x0;
	(pc) =	sbr.rel @p0 .LBB2_2-.Ltmp0, $4  }
0x26: {  	s17 =	sadd.s32 $0x80, s18;
	[sflag:s14] =	ssyncadd.s32 $0xFFFFC000  }
0x27: {  	[spmem:s2] =	stream.indirect.scatter.add.bf16 [tilespmem:s13], [sflag:$0x2], $0x80, s17, s12, $0xb8;
	[tilespmem:$0x1C800] =	vst v63  }
0x28: {  	_ =	swait.ge [sflag:s9], $0x4000  }
0x29: {  	s17 =	smov.u32 s19;
	[sflag:s9] =	ssyncset.done $0x0  }
0x2a: {  	s16 =	sshra.s32 s16, $0x2;
	[sflag:s9] =	ssyncadd.s32 $0xFFFFC000  }
0x2b: {  	[tilespmem:s13], [sflag:$0x1] =	stream.indirect.gather [hbm4b:s4+s12], $0x80, s16, s12, $0xb8;
	[tilespmem:$0x1C800] =	vst v63  }
0x2c: {  	_ =	swait.ge [sflag:s14], $0x4000  }
0x2d: {  	[sflag:s14] =	ssyncset.done $0x0  }
0x2e: {  	s16 =	sadd.s32 $0x80, s16;
	[sflag:s14] =	ssyncadd.s32 $0xFFFFC000  }
0x2f: {  	[spmem:s2] =	stream.indirect.scatter.add.bf16 [tilespmem:s13], [sflag:$0x2], $0x80, s16, s12, $0xb8;
	[tilespmem:$0x1C800] =	vst v63  }
0x30: {  	_ =	swait.ge [sflag:s9], $0x4000  }
0x31: {  	s15 =	sadd.s32 $0x1, s15;
	[sflag:s9] =	ssyncset.done $0x0  }
0x32: {  	p0 =	sne.s32 s15, s7;
	[sflag:s9] =	ssyncadd.s32 $0xFFFFC000  }
.Ltmp1:
0x33: {  	[bflag:$0x0] =	sbarrier.arrive $0xFFFF;
	(pc) =	sbr.rel @p0 .LBB2_1-.Ltmp1, $4  }
0x34: {  	[hbm:s6], [sflag:s10] =	dma.local [spmem:s11], $0x2800  }
0x35: {  	_ =	swait.ge [sflag:s9], $0x2800  }
0x36: {  	[sflag:s9] =	ssyncset.done $0x0  }
0x37: {  	[sflag:s9] =	ssyncadd.s32 $0xFFFFD800  }
0x38: {  	_ =	sfence.sel $0x180000  }
0x39: {  	[bflag:$0x0] =	sbarrier.arrive $0xFFFF  }
0x3a: {  	p0 =	sne.s32 s1, $0x0;
	_ =	strace $0x90000053  }
0x3b: {  	s0 =	sadd.s32 @!p0 $0x100000, s0;
	[bflag:$0x2] =	sbarrier.arrive $0xFFFF  }
0x3c: {  	[sflag:s0] =	ssyncadd.tile.s32 @!p0 $0x1;
	_ =	shalt  }
.Lfunc_end2:
_tile_overlayer_lowered:
.L_overlay_start_2:
0x3d: {  	(tag) =	ssettag $0x2  }
0x3e: {  	s0 =	rddreg [dreg:$0x0];
	s2 =	stileid.u32  }
0x3f: {  	s1 =	rddreg [dreg:$0x1];
	p0 =	sne.s32 s2, $0x0  }
0x40: {  	s3 =	rddreg [dreg:$0x2];
	[bflag:$0x3] =	sbarrier.arrive $0xFFFF;
	s2 =	simm.s32 @!p0 $0x1C02  }
0x41: {  	[timem:s3], [sflag:s2] =	dma.local @!p0 [hbm:s0], s1  }
0x42: {  	s0 =	simm.s32 @!p0 $0x2  }
0x43: {  	_ =	swait.ge @!p0 [sflag:s0], s1  }
0x44: {  	s1 =	ssub.s32 @!p0 $0x0, s1;
	[sflag:s0] =	ssyncset.done @!p0 $0x0  }
0x45: {  	[sflag:s0] =	ssyncadd.s32 @!p0 s1  }
0x46: {  	[bflag:$0x3] =	sbarrier.arrive $0xFFFF  }
0x47: {  	_ =	shalt  }

</sc_bundles>
